<compile_context>
chip_gen: v7x
topology: tpu7x:2x2x1
jax: 0.10.2.dev20260603
libtpu: 0.0.44.dev20260713+nightly
codegen_flags: <defaults>
</compile_context>

<pallas_src>
import functools

import jax
import jax.numpy as jnp
from jax import lax
from jax.experimental import pallas as pl
from jax.experimental.pallas import tpu as pltpu
from jax.experimental.pallas import tpu_sc as plsc

B, T, C = 4, 2048, 768
T_OUT = 2048
BC = 256

TCH = 256
XROWS = TCH + 16
CB = 128
NCB = C // CB
NTC = T // TCH
NTASK = B * NCB * NTC
NW = 32
PER_W = NTASK // NW


def _locnet_body(w_ref, x_ref, b_ref, o_ref, wt_ref):
    b_id = pl.program_id(0)
    c_id = pl.program_id(1)

    @pl.when(jnp.logical_and(b_id == 0, c_id == 0))
    def _():
        wt_ref[...] = w_ref[...].T.astype(jnp.bfloat16)

    x = x_ref[0]
    bias = b_ref[...]
    acc = jax.lax.dot_general(
        wt_ref[...], x.astype(jnp.bfloat16), (((1,), (0,)), ((), ())),
        preferred_element_type=jnp.float32,
    )
    o_ref[0] = jnp.tanh(acc + bias)


def _locnet(X, W_loc, b_loc):
    bias = b_loc.reshape(T_OUT, 1)
    return pl.pallas_call(
        _locnet_body,
        grid=(B, C // BC),
        in_specs=[
            pl.BlockSpec((T, T_OUT), lambda b, c: (0, 0)),
            pl.BlockSpec((1, T, BC), lambda b, c: (b, 0, c)),
            pl.BlockSpec((T_OUT, 1), lambda b, c: (0, 0)),
        ],
        out_specs=pl.BlockSpec((1, T_OUT, BC), lambda b, c: (b, 0, c)),
        out_shape=jax.ShapeDtypeStruct((B, T_OUT, C), jnp.float32),
        scratch_shapes=[pltpu.VMEM((T_OUT, T), jnp.bfloat16)],
        compiler_params=pltpu.CompilerParams(
            dimension_semantics=("arbitrary", "arbitrary"),
        ),
    )(W_loc, X, bias)


@functools.partial(
    pl.kernel,
    mesh=plsc.VectorSubcoreMesh(core_axis_name="c", subcore_axis_name="s"),
    out_type=jax.ShapeDtypeStruct((B, T_OUT, C), jnp.float32),
    scratch_types=[
        pltpu.VMEM((XROWS, CB), jnp.float32),
        pltpu.VMEM((TCH, CB), jnp.float32),
        pltpu.VMEM((TCH, CB), jnp.float32),
    ],
)
def _sc_interp(x_hbm, d_hbm, out_hbm, xbuf, dbuf, obuf):
    wid = lax.axis_index("s") * 2 + lax.axis_index("c")

    def task(k, carry):
        tid = wid * PER_W + k
        tc = tid % NTC
        rest = tid // NTC
        cb = rest % NCB
        b = rest // NCB
        t0 = tc * TCH
        c0 = cb * CB
        src = pl.multiple_of(jnp.clip(t0 - 8, 0, T - XROWS), 8)
        pltpu.sync_copy(x_hbm.at[b, pl.ds(src, XROWS), pl.ds(c0, CB)], xbuf)
        pltpu.sync_copy(d_hbm.at[b, pl.ds(t0, TCH), pl.ds(c0, CB)], dbuf)

        def row(r, carry2):
            o = t0 + r
            i0 = o - src
            im1 = jnp.maximum(o - 1, 0) - src
            ip1 = jnp.minimum(o + 1, T - 1) - src
            for g in range(CB // 16):
                sl = pl.ds(g * 16, 16)
                dv = dbuf[r, sl]
                xm = xbuf[im1, sl]
                x0v = xbuf[i0, sl]
                xp = xbuf[ip1, sl]
                neg = dv < 0.0
                sat = dv >= 1.0
                w1 = jnp.where(neg, dv + 1.0, jnp.where(sat, 0.0, dv))
                w0 = 1.0 - w1
                va = jnp.where(neg, xm, jnp.where(sat, xp, x0v))
                vb = jnp.where(neg, x0v, xp)
                obuf[r, sl] = w0 * va + w1 * vb
            return carry2

        lax.fori_loop(0, TCH, row, 0)

        @pl.when(tc == 0)
        def _():
            for g in range(CB // 16):
                sl = pl.ds(g * 16, 16)
                dv = dbuf[0, sl]
                obuf[0, sl] = jnp.where(dv < 0.0, 0.0, obuf[0, sl])

        @pl.when(tc == NTC - 1)
        def _():
            for g in range(CB // 16):
                sl = pl.ds(g * 16, 16)
                dl = dbuf[TCH - 1, sl]
                obuf[TCH - 1, sl] = jnp.where(dl < 0.0, obuf[TCH - 1, sl], 0.0)
                dp = dbuf[TCH - 2, sl]
                obuf[TCH - 2, sl] = jnp.where(dp >= 1.0, 0.0, obuf[TCH - 2, sl])

        pltpu.sync_copy(obuf, out_hbm.at[b, pl.ds(t0, TCH), pl.ds(c0, CB)])
        return carry

    lax.fori_loop(0, PER_W, task, 0)


@jax.jit
def kernel(X, W_loc, b_loc):
    deform = _locnet(X, W_loc, b_loc)
    return _sc_interp(X, deform)

# --- scband reference (transcript-rebuilt; emitter-appended) ---
"""Pipeline reference for scband-resample-64630667870587 (READ-ONLY COPY).

The authoritative reference and input builder live on the scoring server;
editing this copy changes nothing except your own understanding.
"""

import jax, jax.numpy as jnp
import numpy as np

B, T, C = 4, 2048, 768
T_OUT = 2048


def setup_inputs(seed: int = 0) -> dict:
    key = jax.random.key(seed)
    k1, k2, k3 = jax.random.split(key, 3)
    X = jax.random.normal(k1, (B, T, C), dtype=jnp.float32)
    W_loc = jax.random.normal(k2, (T, T_OUT), dtype=jnp.float32) * 0.02
    b_loc = jax.random.normal(k3, (T_OUT,), dtype=jnp.float32) * 0.01
    return {"X": X, "W_loc": W_loc, "b_loc": b_loc}


def _interpolate(signal, x, t_out):
    # signal: (B, T, C); x: flat sample coords of length B*C*t_out
    Bv, Tv, Cv = signal.shape
    xf = x.astype(jnp.float32)
    x0 = jnp.floor(xf).astype(jnp.int32)
    x1 = x0 + 1
    max_x = Tv - 1
    x0c = jnp.clip(x0, 0, max_x)
    x1c = jnp.clip(x1, 0, max_x)
    pts_batch = jnp.arange(Bv * Cv, dtype=jnp.int32) * Tv
    base = jnp.repeat(pts_batch, t_out)
    ind0 = base + x0c
    ind1 = base + x1c
    flat_signal = jnp.transpose(signal, (0, 2, 1)).reshape(-1)
    v0 = jnp.take(flat_signal, ind0)
    v1 = jnp.take(flat_signal, ind1)
    w0 = x1c.astype(jnp.float32) - xf
    w1 = xf - x0c.astype(jnp.float32)
    out = w0 * v0 + w1 * v1
    out = out.reshape(Bv, Cv, t_out)  # (-1, output_size[1], output_size[0])
    return jnp.transpose(out, (0, 2, 1))  # (B, T_out, C)


def _locnet(X, W_loc, b_loc):
    # dense projection along time, per channel: (B,T,C) x (T,T_out) -> (B,T_out,C)
    return jnp.tanh(jnp.einsum('btc,to->boc', X, W_loc) + b_loc[None, :, None])


def reference(X, W_loc, b_loc):
    Bv, Tv, Cv = X.shape
    deformation = _locnet(X, W_loc, b_loc)  # (B, T_out, C)
    indices_grid = jnp.linspace(0.0, Tv - 1.0, T_OUT)
    indices_grid = jnp.broadcast_to(indices_grid[None, None, :], (Bv, Cv, T_OUT))
    deform_t = jnp.transpose(deformation, (0, 2, 1))  # (B, C, T_out)
    transformed_grid = indices_grid + deform_t
    x_s_flatten = transformed_grid.reshape(-1)
    return _interpolate(X, x_s_flatten, T_OUT)

if __name__ == "__main__":
    import jax
    _d = setup_inputs()
    print(jax.jit(kernel)(*tuple(_d.values())))

</pallas_src>

<mosaic_0001>
#map = affine_map<(d0, d1) -> (0, 0, 0)>
module attributes {stable_mosaic.version = 14 : i64} {
  func.func @_sc_interp(%arg0: i32, %arg1: i32, %arg2: memref<4x2048x768xf32, #tpu.memory_space<hbm>>, %arg3: memref<4x2048x768xf32, #tpu.memory_space<hbm>>, %arg4: memref<4x2048x768xf32, #tpu.memory_space<hbm>>, %arg5: memref<272x128xf32, #tpu.memory_space<vmem>>, %arg6: memref<256x128xf32, #tpu.memory_space<vmem>>, %arg7: memref<256x128xf32, #tpu.memory_space<vmem>>) attributes {dimension_semantics = [#tpu.dimension_semantics<core_parallel>, #tpu.dimension_semantics<subcore_parallel>], iteration_bounds = array<i64: 2, 16>, scalar_prefetch = 0 : i64, scratch_operands = 3 : i64, tpu.core_type = #tpu.core_type<sc_vector_subcore>, window_params = [{transform_indices = #map}, {transform_indices = #map}, {transform_indices = #map}]} {
    %mul3A = arith.constant 2 : i32
    %mul3A_0 = arith.muli %arg1, %mul3A : i32
    %add3A = arith.addi %mul3A_0, %arg0 : i32
    %scan3A = arith.constant 0 : i32
    %scan3A_1 = arith.constant 0 : i32
    %scan3A_2 = arith.constant 6 : i32
    %scan3A_3 = arith.addi %scan3A_1, %scan3A_2 : i32
    %scan3A_4 = arith.constant 1 : i32
    scf.for %scan3A_6 = %scan3A_1 to %scan3A_3 step %scan3A_4  : i32 {
      %mul3A_7 = arith.constant 6 : i32
      %mul3A_8 = arith.muli %add3A, %mul3A_7 : i32
      %add3A_9 = arith.addi %mul3A_8, %scan3A_6 : i32
      %jit3A = arith.constant 8 : i32
      %eq3A = arith.constant 0 : i32
      %eq3A_10 = arith.cmpi eq, %jit3A, %eq3A : i32
      %jit3A_11 = arith.constant 1 : i32
      %select_n3A = arith.select %eq3A_10, %jit3A_11, %jit3A : i32
      %rem3A = arith.remsi %add3A_9, %select_n3A : i32
      %ne3A = arith.constant 0 : i32
      %ne3A_12 = arith.cmpi ne, %rem3A, %ne3A : i32
      %lt3A = arith.constant 0 : i32
      %lt3A_13 = arith.cmpi slt, %rem3A, %lt3A : i32
      %lt3A_14 = arith.constant 0 : i32
      %lt3A_15 = arith.cmpi slt, %select_n3A, %lt3A_14 : i32
      %ne3A_16 = arith.xori %lt3A_13, %lt3A_15 : i1
      %and3A = arith.andi %ne3A_16, %ne3A_12 : i1
      %add3A_17 = arith.addi %rem3A, %select_n3A : i32
      %select_n3A_18 = arith.select %and3A, %add3A_17, %rem3A : i32
      %jit3A_19 = arith.constant 8 : i32
      %div3A = arith.divsi %add3A_9, %jit3A_19 : i32
      %sign3A = arith.constant 0 : i32
      %sign3A_20 = arith.cmpi sgt, %add3A_9, %sign3A : i32
      %sign3A_21 = arith.extui %sign3A_20 : i1 to i32
      %sign3A_22 = arith.constant 0 : i32
      %sign3A_23 = arith.cmpi slt, %add3A_9, %sign3A_22 : i32
      %sign3A_24 = arith.extui %sign3A_23 : i1 to i32
      %sign3A_25 = arith.subi %sign3A_21, %sign3A_24 : i32
      %sign3A_26 = arith.constant 0 : i32
      %sign3A_27 = arith.cmpi sgt, %jit3A_19, %sign3A_26 : i32
      %sign3A_28 = arith.extui %sign3A_27 : i1 to i32
      %sign3A_29 = arith.constant 0 : i32
      %sign3A_30 = arith.cmpi slt, %jit3A_19, %sign3A_29 : i32
      %sign3A_31 = arith.extui %sign3A_30 : i1 to i32
      %sign3A_32 = arith.subi %sign3A_28, %sign3A_31 : i32
      %ne3A_33 = arith.cmpi ne, %sign3A_25, %sign3A_32 : i32
      %rem3A_34 = arith.remsi %add3A_9, %jit3A_19 : i32
      %ne3A_35 = arith.constant 0 : i32
      %ne3A_36 = arith.cmpi ne, %rem3A_34, %ne3A_35 : i32
      %and3A_37 = arith.andi %ne3A_33, %ne3A_36 : i1
      %sub3A = arith.constant 1 : i32
      %sub3A_38 = arith.subi %div3A, %sub3A : i32
      %select_n3A_39 = arith.select %and3A_37, %sub3A_38, %div3A : i32
      %jit3A_40 = arith.constant 6 : i32
      %eq3A_41 = arith.constant 0 : i32
      %eq3A_42 = arith.cmpi eq, %jit3A_40, %eq3A_41 : i32
      %jit3A_43 = arith.constant 1 : i32
      %select_n3A_44 = arith.select %eq3A_42, %jit3A_43, %jit3A_40 : i32
      %rem3A_45 = arith.remsi %select_n3A_39, %select_n3A_44 : i32
      %ne3A_46 = arith.constant 0 : i32
      %ne3A_47 = arith.cmpi ne, %rem3A_45, %ne3A_46 : i32
      %lt3A_48 = arith.constant 0 : i32
      %lt3A_49 = arith.cmpi slt, %rem3A_45, %lt3A_48 : i32
      %lt3A_50 = arith.constant 0 : i32
      %lt3A_51 = arith.cmpi slt, %select_n3A_44, %lt3A_50 : i32
      %ne3A_52 = arith.xori %lt3A_49, %lt3A_51 : i1
      %and3A_53 = arith.andi %ne3A_52, %ne3A_47 : i1
      %add3A_54 = arith.addi %rem3A_45, %select_n3A_44 : i32
      %select_n3A_55 = arith.select %and3A_53, %add3A_54, %rem3A_45 : i32
      %jit3A_56 = arith.constant 6 : i32
      %div3A_57 = arith.divsi %select_n3A_39, %jit3A_56 : i32
      %sign3A_58 = arith.constant 0 : i32
      %sign3A_59 = arith.cmpi sgt, %select_n3A_39, %sign3A_58 : i32
      %sign3A_60 = arith.extui %sign3A_59 : i1 to i32
      %sign3A_61 = arith.constant 0 : i32
      %sign3A_62 = arith.cmpi slt, %select_n3A_39, %sign3A_61 : i32
      %sign3A_63 = arith.extui %sign3A_62 : i1 to i32
      %sign3A_64 = arith.subi %sign3A_60, %sign3A_63 : i32
      %sign3A_65 = arith.constant 0 : i32
      %sign3A_66 = arith.cmpi sgt, %jit3A_56, %sign3A_65 : i32
      %sign3A_67 = arith.extui %sign3A_66 : i1 to i32
      %sign3A_68 = arith.constant 0 : i32
      %sign3A_69 = arith.cmpi slt, %jit3A_56, %sign3A_68 : i32
      %sign3A_70 = arith.extui %sign3A_69 : i1 to i32
      %sign3A_71 = arith.subi %sign3A_67, %sign3A_70 : i32
      %ne3A_72 = arith.cmpi ne, %sign3A_64, %sign3A_71 : i32
      %rem3A_73 = arith.remsi %select_n3A_39, %jit3A_56 : i32
      %ne3A_74 = arith.constant 0 : i32
      %ne3A_75 = arith.cmpi ne, %rem3A_73, %ne3A_74 : i32
      %and3A_76 = arith.andi %ne3A_72, %ne3A_75 : i1
      %sub3A_77 = arith.constant 1 : i32
      %sub3A_78 = arith.subi %div3A_57, %sub3A_77 : i32
      %select_n3A_79 = arith.select %and3A_76, %sub3A_78, %div3A_57 : i32
      %mul3A_80 = arith.constant 256 : i32
      %mul3A_81 = arith.muli %select_n3A_18, %mul3A_80 : i32
      %mul3A_82 = arith.constant 128 : i32
      %mul3A_83 = arith.muli %select_n3A_55, %mul3A_82 : i32
      %sub3A_84 = arith.constant 8 : i32
      %sub3A_85 = arith.subi %mul3A_81, %sub3A_84 : i32
      %jit3A_86 = arith.constant 0 : i32
      %jit3A_87 = arith.constant 1776 : i32
      %max3A = arith.maxsi %jit3A_86, %sub3A_85 : i32
      %min3A = arith.minsi %jit3A_87, %max3A : i32
      %multiple_of3A = tpu.assume_multiple %min3A, 8 : i32
      "tpu.region"() ({
        %run_scoped3A = tpu.sem_alloc : memref<!tpu.dma_semaphore, #tpu.memory_space<semaphore_mem>>
        %dma_start3A = tpu.memref_slice %arg2[%select_n3A_79, %multiple_of3A, %mul3A_83] : memref<4x2048x768xf32, #tpu.memory_space<hbm>> -> memref<1x272x128xf32, #tpu.memory_space<hbm>>
        %dma_start3A_102 = tpu.memref_squeeze %dma_start3A : memref<1x272x128xf32, #tpu.memory_space<hbm>> -> memref<272x128xf32, #tpu.memory_space<hbm>>
        %dma_start3A_103 = tpu.memref_slice %arg2[%select_n3A_79, %multiple_of3A, %mul3A_83] : memref<4x2048x768xf32, #tpu.memory_space<hbm>> -> memref<1x272x128xf32, #tpu.memory_space<hbm>>
        %dma_start3A_104 = tpu.memref_squeeze %dma_start3A_103 : memref<1x272x128xf32, #tpu.memory_space<hbm>> -> memref<272x128xf32, #tpu.memory_space<hbm>>
        tpu.enqueue_dma source(%dma_start3A_104 : memref<272x128xf32, #tpu.memory_space<hbm>>) target(%arg5 : memref<272x128xf32, #tpu.memory_space<vmem>>) target_semaphore(%run_scoped3A : memref<!tpu.dma_semaphore, #tpu.memory_space<semaphore_mem>>)
        %dma_wait3A = tpu.memref_slice %arg2[%select_n3A_79, %multiple_of3A, %mul3A_83] : memref<4x2048x768xf32, #tpu.memory_space<hbm>> -> memref<1x272x128xf32, #tpu.memory_space<hbm>>
        %dma_wait3A_105 = tpu.memref_squeeze %dma_wait3A : memref<1x272x128xf32, #tpu.memory_space<hbm>> -> memref<272x128xf32, #tpu.memory_space<hbm>>
        %dma_wait3A_106 = tpu.memref_slice %arg2[%select_n3A_79, %multiple_of3A, %mul3A_83] : memref<4x2048x768xf32, #tpu.memory_space<hbm>> -> memref<1x272x128xf32, #tpu.memory_space<hbm>>
        %dma_wait3A_107 = tpu.memref_squeeze %dma_wait3A_106 : memref<1x272x128xf32, #tpu.memory_space<hbm>> -> memref<272x128xf32, #tpu.memory_space<hbm>>
        tpu.wait_dma2 semaphore(%run_scoped3A : memref<!tpu.dma_semaphore, #tpu.memory_space<semaphore_mem>>) src(%dma_wait3A_107 : memref<272x128xf32, #tpu.memory_space<hbm>>) dst(%arg5 : memref<272x128xf32, #tpu.memory_space<vmem>>)
        tpu.yield
      }) : () -> ()
      "tpu.region"() ({
        %run_scoped3A = tpu.sem_alloc : memref<!tpu.dma_semaphore, #tpu.memory_space<semaphore_mem>>
        %dma_start3A = tpu.memref_slice %arg3[%select_n3A_79, %mul3A_81, %mul3A_83] : memref<4x2048x768xf32, #tpu.memory_space<hbm>> -> memref<1x256x128xf32, #tpu.memory_space<hbm>>
        %dma_start3A_102 = tpu.memref_squeeze %dma_start3A : memref<1x256x128xf32, #tpu.memory_space<hbm>> -> memref<256x128xf32, #tpu.memory_space<hbm>>
        %dma_start3A_103 = tpu.memref_slice %arg3[%select_n3A_79, %mul3A_81, %mul3A_83] : memref<4x2048x768xf32, #tpu.memory_space<hbm>> -> memref<1x256x128xf32, #tpu.memory_space<hbm>>
        %dma_start3A_104 = tpu.memref_squeeze %dma_start3A_103 : memref<1x256x128xf32, #tpu.memory_space<hbm>> -> memref<256x128xf32, #tpu.memory_space<hbm>>
        tpu.enqueue_dma source(%dma_start3A_104 : memref<256x128xf32, #tpu.memory_space<hbm>>) target(%arg6 : memref<256x128xf32, #tpu.memory_space<vmem>>) target_semaphore(%run_scoped3A : memref<!tpu.dma_semaphore, #tpu.memory_space<semaphore_mem>>)
        %dma_wait3A = tpu.memref_slice %arg3[%select_n3A_79, %mul3A_81, %mul3A_83] : memref<4x2048x768xf32, #tpu.memory_space<hbm>> -> memref<1x256x128xf32, #tpu.memory_space<hbm>>
        %dma_wait3A_105 = tpu.memref_squeeze %dma_wait3A : memref<1x256x128xf32, #tpu.memory_space<hbm>> -> memref<256x128xf32, #tpu.memory_space<hbm>>
        %dma_wait3A_106 = tpu.memref_slice %arg3[%select_n3A_79, %mul3A_81, %mul3A_83] : memref<4x2048x768xf32, #tpu.memory_space<hbm>> -> memref<1x256x128xf32, #tpu.memory_space<hbm>>
        %dma_wait3A_107 = tpu.memref_squeeze %dma_wait3A_106 : memref<1x256x128xf32, #tpu.memory_space<hbm>> -> memref<256x128xf32, #tpu.memory_space<hbm>>
        tpu.wait_dma2 semaphore(%run_scoped3A : memref<!tpu.dma_semaphore, #tpu.memory_space<semaphore_mem>>) src(%dma_wait3A_107 : memref<256x128xf32, #tpu.memory_space<hbm>>) dst(%arg6 : memref<256x128xf32, #tpu.memory_space<vmem>>)
        tpu.yield
      }) : () -> ()
      %scan3A_88 = arith.constant 0 : i32
      %scan3A_89 = arith.constant 0 : i32
      %scan3A_90 = arith.constant 256 : i32
      %scan3A_91 = arith.addi %scan3A_89, %scan3A_90 : i32
      %scan3A_92 = arith.constant 1 : i32
      scf.for %scan3A_102 = %scan3A_89 to %scan3A_91 step %scan3A_92  : i32 {
        %add3A_103 = arith.addi %mul3A_81, %scan3A_102 : i32
        %sub3A_104 = arith.subi %add3A_103, %multiple_of3A : i32
        %sub3A_105 = arith.constant 1 : i32
        %sub3A_106 = arith.subi %add3A_103, %sub3A_105 : i32
        %max3A_107 = arith.constant 0 : i32
        %max3A_108 = arith.maxsi %sub3A_106, %max3A_107 : i32
        %sub3A_109 = arith.subi %max3A_108, %multiple_of3A : i32
        %add3A_110 = arith.constant 1 : i32
        %add3A_111 = arith.addi %add3A_103, %add3A_110 : i32
        %min3A_112 = arith.constant 2047 : i32
        %min3A_113 = arith.minsi %add3A_111, %min3A_112 : i32
        %sub3A_114 = arith.subi %min3A_113, %multiple_of3A : i32
        %get3A = arith.index_cast %scan3A_102 : i32 to index
        %get3A_115 = arith.constant 0 : index
        %get3A_116 = tpu.vector_load %arg6[%get3A, %get3A_115] {strides = array<i32>} : memref<256x128xf32, #tpu.memory_space<vmem>>, vector<1x16xf32>,
        %get3A_117 = vector.shape_cast %get3A_116 : vector<1x16xf32> to vector<16xf32>
        %get3A_118 = arith.index_cast %sub3A_109 : i32 to index
        %get3A_119 = arith.constant 0 : index
        %get3A_120 = tpu.vector_load %arg5[%get3A_118, %get3A_119] {strides = array<i32>} : memref<272x128xf32, #tpu.memory_space<vmem>>, vector<1x16xf32>,
        %get3A_121 = vector.shape_cast %get3A_120 : vector<1x16xf32> to vector<16xf32>
        %get3A_122 = arith.index_cast %sub3A_104 : i32 to index
        %get3A_123 = arith.constant 0 : index
        %get3A_124 = tpu.vector_load %arg5[%get3A_122, %get3A_123] {strides = array<i32>} : memref<272x128xf32, #tpu.memory_space<vmem>>, vector<1x16xf32>,
        %get3A_125 = vector.shape_cast %get3A_124 : vector<1x16xf32> to vector<16xf32>
        %get3A_126 = arith.index_cast %sub3A_114 : i32 to index
        %get3A_127 = arith.constant 0 : index
        %get3A_128 = tpu.vector_load %arg5[%get3A_126, %get3A_127] {strides = array<i32>} : memref<272x128xf32, #tpu.memory_space<vmem>>, vector<1x16xf32>,
        %get3A_129 = vector.shape_cast %get3A_128 : vector<1x16xf32> to vector<16xf32>
        %lt3A_130 = arith.constant 0.000000e+00 : f32
        %lt3A_131 = vector.broadcast %lt3A_130 : f32 to vector<16xf32>
        %lt3A_132 = arith.cmpf olt, %get3A_117, %lt3A_131 : vector<16xf32>
        %ge3A = arith.constant 1.000000e+00 : f32
        %ge3A_133 = vector.broadcast %ge3A : f32 to vector<16xf32>
        %ge3A_134 = arith.cmpf oge, %get3A_117, %ge3A_133 : vector<16xf32>
        %add3A_135 = arith.constant 1.000000e+00 : f32
        %add3A_136 = vector.broadcast %add3A_135 : f32 to vector<16xf32>
        %add3A_137 = arith.addf %get3A_117, %add3A_136 : vector<16xf32>
        %jit3A_138 = arith.constant 0.000000e+00 : f32
        %broadcast_in_dim3A = vector.broadcast %jit3A_138 : f32 to vector<16xf32>
        %select_n3A_139 = arith.select %ge3A_134, %broadcast_in_dim3A, %get3A_117 : vector<16xi1>, vector<16xf32>
        %select_n3A_140 = arith.select %lt3A_132, %add3A_137, %select_n3A_139 : vector<16xi1>, vector<16xf32>
        %sub3A_141 = arith.constant 1.000000e+00 : f32
        %sub3A_142 = vector.broadcast %sub3A_141 : f32 to vector<16xf32>
        %sub3A_143 = arith.subf %sub3A_142, %select_n3A_140 : vector<16xf32>
        %select_n3A_144 = arith.select %ge3A_134, %get3A_129, %get3A_125 : vector<16xi1>, vector<16xf32>
        %select_n3A_145 = arith.select %lt3A_132, %get3A_121, %select_n3A_144 : vector<16xi1>, vector<16xf32>
        %select_n3A_146 = arith.select %lt3A_132, %get3A_125, %get3A_129 : vector<16xi1>, vector<16xf32>
        %mul3A_147 = arith.mulf %sub3A_143, %select_n3A_145 : vector<16xf32>
        %mul3A_148 = arith.mulf %select_n3A_140, %select_n3A_146 : vector<16xf32>
        %add3A_149 = arith.addf %mul3A_147, %mul3A_148 : vector<16xf32>
        %swap3A = arith.index_cast %scan3A_102 : i32 to index
        %swap3A_150 = arith.constant 0 : index
        %swap3A_151 = tpu.vector_load %arg7[%swap3A, %swap3A_150] {strides = array<i32>} : memref<256x128xf32, #tpu.memory_space<vmem>>, vector<1x16xf32>,
        %swap3A_152 = vector.shape_cast %swap3A_151 : vector<1x16xf32> to vector<16xf32>
        %swap3A_153 = vector.shape_cast %add3A_149 : vector<16xf32> to vector<1x16xf32>
        tpu.vector_store %arg7[%swap3A, %swap3A_150], %swap3A_153 {strides = array<i32>} : memref<256x128xf32, #tpu.memory_space<vmem>>, vector<1x16xf32>,
        %get3A_154 = arith.index_cast %scan3A_102 : i32 to index
        %get3A_155 = arith.constant 16 : index
        %get3A_156 = tpu.vector_load %arg6[%get3A_154, %get3A_155] {strides = array<i32>} : memref<256x128xf32, #tpu.memory_space<vmem>>, vector<1x16xf32>,
        %get3A_157 = vector.shape_cast %get3A_156 : vector<1x16xf32> to vector<16xf32>
        %get3A_158 = arith.index_cast %sub3A_109 : i32 to index
        %get3A_159 = arith.constant 16 : index
        %get3A_160 = tpu.vector_load %arg5[%get3A_158, %get3A_159] {strides = array<i32>} : memref<272x128xf32, #tpu.memory_space<vmem>>, vector<1x16xf32>,
        %get3A_161 = vector.shape_cast %get3A_160 : vector<1x16xf32> to vector<16xf32>
        %get3A_162 = arith.index_cast %sub3A_104 : i32 to index
        %get3A_163 = arith.constant 16 : index
        %get3A_164 = tpu.vector_load %arg5[%get3A_162, %get3A_163] {strides = array<i32>} : memref<272x128xf32, #tpu.memory_space<vmem>>, vector<1x16xf32>,
        %get3A_165 = vector.shape_cast %get3A_164 : vector<1x16xf32> to vector<16xf32>
        %get3A_166 = arith.index_cast %sub3A_114 : i32 to index
        %get3A_167 = arith.constant 16 : index
        %get3A_168 = tpu.vector_load %arg5[%get3A_166, %get3A_167] {strides = array<i32>} : memref<272x128xf32, #tpu.memory_space<vmem>>, vector<1x16xf32>,
        %get3A_169 = vector.shape_cast %get3A_168 : vector<1x16xf32> to vector<16xf32>
        %lt3A_170 = arith.constant 0.000000e+00 : f32
        %lt3A_171 = vector.broadcast %lt3A_170 : f32 to vector<16xf32>
        %lt3A_172 = arith.cmpf olt, %get3A_157, %lt3A_171 : vector<16xf32>
        %ge3A_173 = arith.constant 1.000000e+00 : f32
        %ge3A_174 = vector.broadcast %ge3A_173 : f32 to vector<16xf32>
        %ge3A_175 = arith.cmpf oge, %get3A_157, %ge3A_174 : vector<16xf32>
        %add3A_176 = arith.constant 1.000000e+00 : f32
        %add3A_177 = vector.broadcast %add3A_176 : f32 to vector<16xf32>
        %add3A_178 = arith.addf %get3A_157, %add3A_177 : vector<16xf32>
        %jit3A_179 = arith.constant 0.000000e+00 : f32
        %broadcast_in_dim3A_180 = vector.broadcast %jit3A_179 : f32 to vector<16xf32>
        %select_n3A_181 = arith.select %ge3A_175, %broadcast_in_dim3A_180, %get3A_157 : vector<16xi1>, vector<16xf32>
        %select_n3A_182 = arith.select %lt3A_172, %add3A_178, %select_n3A_181 : vector<16xi1>, vector<16xf32>
        %sub3A_183 = arith.constant 1.000000e+00 : f32
        %sub3A_184 = vector.broadcast %sub3A_183 : f32 to vector<16xf32>
        %sub3A_185 = arith.subf %sub3A_184, %select_n3A_182 : vector<16xf32>
        %select_n3A_186 = arith.select %ge3A_175, %get3A_169, %get3A_165 : vector<16xi1>, vector<16xf32>
        %select_n3A_187 = arith.select %lt3A_172, %get3A_161, %select_n3A_186 : vector<16xi1>, vector<16xf32>
        %select_n3A_188 = arith.select %lt3A_172, %get3A_165, %get3A_169 : vector<16xi1>, vector<16xf32>
        %mul3A_189 = arith.mulf %sub3A_185, %select_n3A_187 : vector<16xf32>
        %mul3A_190 = arith.mulf %select_n3A_182, %select_n3A_188 : vector<16xf32>
        %add3A_191 = arith.addf %mul3A_189, %mul3A_190 : vector<16xf32>
        %swap3A_192 = arith.index_cast %scan3A_102 : i32 to index
        %swap3A_193 = arith.constant 16 : index
        %swap3A_194 = tpu.vector_load %arg7[%swap3A_192, %swap3A_193] {strides = array<i32>} : memref<256x128xf32, #tpu.memory_space<vmem>>, vector<1x16xf32>,
        %swap3A_195 = vector.shape_cast %swap3A_194 : vector<1x16xf32> to vector<16xf32>
        %swap3A_196 = vector.shape_cast %add3A_191 : vector<16xf32> to vector<1x16xf32>
        tpu.vector_store %arg7[%swap3A_192, %swap3A_193], %swap3A_196 {strides = array<i32>} : memref<256x128xf32, #tpu.memory_space<vmem>>, vector<1x16xf32>,
        %get3A_197 = arith.index_cast %scan3A_102 : i32 to index
        %get3A_198 = arith.constant 32 : index
        %get3A_199 = tpu.vector_load %arg6[%get3A_197, %get3A_198] {strides = array<i32>} : memref<256x128xf32, #tpu.memory_space<vmem>>, vector<1x16xf32>,
        %get3A_200 = vector.shape_cast %get3A_199 : vector<1x16xf32> to vector<16xf32>
        %get3A_201 = arith.index_cast %sub3A_109 : i32 to index
        %get3A_202 = arith.constant 32 : index
        %get3A_203 = tpu.vector_load %arg5[%get3A_201, %get3A_202] {strides = array<i32>} : memref<272x128xf32, #tpu.memory_space<vmem>>, vector<1x16xf32>,
        %get3A_204 = vector.shape_cast %get3A_203 : vector<1x16xf32> to vector<16xf32>
        %get3A_205 = arith.index_cast %sub3A_104 : i32 to index
        %get3A_206 = arith.constant 32 : index
        %get3A_207 = tpu.vector_load %arg5[%get3A_205, %get3A_206] {strides = array<i32>} : memref<272x128xf32, #tpu.memory_space<vmem>>, vector<1x16xf32>,
        %get3A_208 = vector.shape_cast %get3A_207 : vector<1x16xf32> to vector<16xf32>
        %get3A_209 = arith.index_cast %sub3A_114 : i32 to index
        %get3A_210 = arith.constant 32 : index
        %get3A_211 = tpu.vector_load %arg5[%get3A_209, %get3A_210] {strides = array<i32>} : memref<272x128xf32, #tpu.memory_space<vmem>>, vector<1x16xf32>,
        %get3A_212 = vector.shape_cast %get3A_211 : vector<1x16xf32> to vector<16xf32>
        %lt3A_213 = arith.constant 0.000000e+00 : f32
        %lt3A_214 = vector.broadcast %lt3A_213 : f32 to vector<16xf32>
        %lt3A_215 = arith.cmpf olt, %get3A_200, %lt3A_214 : vector<16xf32>
        %ge3A_216 = arith.constant 1.000000e+00 : f32
        %ge3A_217 = vector.broadcast %ge3A_216 : f32 to vector<16xf32>
        %ge3A_218 = arith.cmpf oge, %get3A_200, %ge3A_217 : vector<16xf32>
        %add3A_219 = arith.constant 1.000000e+00 : f32
        %add3A_220 = vector.broadcast %add3A_219 : f32 to vector<16xf32>
        %add3A_221 = arith.addf %get3A_200, %add3A_220 : vector<16xf32>
        %jit3A_222 = arith.constant 0.000000e+00 : f32
        %broadcast_in_dim3A_223 = vector.broadcast %jit3A_222 : f32 to vector<16xf32>
        %select_n3A_224 = arith.select %ge3A_218, %broadcast_in_dim3A_223, %get3A_200 : vector<16xi1>, vector<16xf32>
        %select_n3A_225 = arith.select %lt3A_215, %add3A_221, %select_n3A_224 : vector<16xi1>, vector<16xf32>
        %sub3A_226 = arith.constant 1.000000e+00 : f32
        %sub3A_227 = vector.broadcast %sub3A_226 : f32 to vector<16xf32>
        %sub3A_228 = arith.subf %sub3A_227, %select_n3A_225 : vector<16xf32>
        %select_n3A_229 = arith.select %ge3A_218, %get3A_212, %get3A_208 : vector<16xi1>, vector<16xf32>
        %select_n3A_230 = arith.select %lt3A_215, %get3A_204, %select_n3A_229 : vector<16xi1>, vector<16xf32>
        %select_n3A_231 = arith.select %lt3A_215, %get3A_208, %get3A_212 : vector<16xi1>, vector<16xf32>
        %mul3A_232 = arith.mulf %sub3A_228, %select_n3A_230 : vector<16xf32>
        %mul3A_233 = arith.mulf %select_n3A_225, %select_n3A_231 : vector<16xf32>
        %add3A_234 = arith.addf %mul3A_232, %mul3A_233 : vector<16xf32>
        %swap3A_235 = arith.index_cast %scan3A_102 : i32 to index
        %swap3A_236 = arith.constant 32 : index
        %swap3A_237 = tpu.vector_load %arg7[%swap3A_235, %swap3A_236] {strides = array<i32>} : memref<256x128xf32, #tpu.memory_space<vmem>>, vector<1x16xf32>,
        %swap3A_238 = vector.shape_cast %swap3A_237 : vector<1x16xf32> to vector<16xf32>
        %swap3A_239 = vector.shape_cast %add3A_234 : vector<16xf32> to vector<1x16xf32>
        tpu.vector_store %arg7[%swap3A_235, %swap3A_236], %swap3A_239 {strides = array<i32>} : memref<256x128xf32, #tpu.memory_space<vmem>>, vector<1x16xf32>,
        %get3A_240 = arith.index_cast %scan3A_102 : i32 to index
        %get3A_241 = arith.constant 48 : index
        %get3A_242 = tpu.vector_load %arg6[%get3A_240, %get3A_241] {strides = array<i32>} : memref<256x128xf32, #tpu.memory_space<vmem>>, vector<1x16xf32>,
        %get3A_243 = vector.shape_cast %get3A_242 : vector<1x16xf32> to vector<16xf32>
        %get3A_244 = arith.index_cast %sub3A_109 : i32 to index
        %get3A_245 = arith.constant 48 : index
        %get3A_246 = tpu.vector_load %arg5[%get3A_244, %get3A_245] {strides = array<i32>} : memref<272x128xf32, #tpu.memory_space<vmem>>, vector<1x16xf32>,
        %get3A_247 = vector.shape_cast %get3A_246 : vector<1x16xf32> to vector<16xf32>
        %get3A_248 = arith.index_cast %sub3A_104 : i32 to index
        %get3A_249 = arith.constant 48 : index
        %get3A_250 = tpu.vector_load %arg5[%get3A_248, %get3A_249] {strides = array<i32>} : memref<272x128xf32, #tpu.memory_space<vmem>>, vector<1x16xf32>,
        %get3A_251 = vector.shape_cast %get3A_250 : vector<1x16xf32> to vector<16xf32>
        %get3A_252 = arith.index_cast %sub3A_114 : i32 to index
        %get3A_253 = arith.constant 48 : index
        %get3A_254 = tpu.vector_load %arg5[%get3A_252, %get3A_253] {strides = array<i32>} : memref<272x128xf32, #tpu.memory_space<vmem>>, vector<1x16xf32>,
        %get3A_255 = vector.shape_cast %get3A_254 : vector<1x16xf32> to vector<16xf32>
        %lt3A_256 = arith.constant 0.000000e+00 : f32
        %lt3A_257 = vector.broadcast %lt3A_256 : f32 to vector<16xf32>
        %lt3A_258 = arith.cmpf olt, %get3A_243, %lt3A_257 : vector<16xf32>
        %ge3A_259 = arith.constant 1.000000e+00 : f32
        %ge3A_260 = vector.broadcast %ge3A_259 : f32 to vector<16xf32>
        %ge3A_261 = arith.cmpf oge, %get3A_243, %ge3A_260 : vector<16xf32>
        %add3A_262 = arith.constant 1.000000e+00 : f32
        %add3A_263 = vector.broadcast %add3A_262 : f32 to vector<16xf32>
        %add3A_264 = arith.addf %get3A_243, %add3A_263 : vector<16xf32>
        %jit3A_265 = arith.constant 0.000000e+00 : f32
        %broadcast_in_dim3A_266 = vector.broadcast %jit3A_265 : f32 to vector<16xf32>
        %select_n3A_267 = arith.select %ge3A_261, %broadcast_in_dim3A_266, %get3A_243 : vector<16xi1>, vector<16xf32>
        %select_n3A_268 = arith.select %lt3A_258, %add3A_264, %select_n3A_267 : vector<16xi1>, vector<16xf32>
        %sub3A_269 = arith.constant 1.000000e+00 : f32
        %sub3A_270 = vector.broadcast %sub3A_269 : f32 to vector<16xf32>
        %sub3A_271 = arith.subf %sub3A_270, %select_n3A_268 : vector<16xf32>
        %select_n3A_272 = arith.select %ge3A_261, %get3A_255, %get3A_251 : vector<16xi1>, vector<16xf32>
        %select_n3A_273 = arith.select %lt3A_258, %get3A_247, %select_n3A_272 : vector<16xi1>, vector<16xf32>
        %select_n3A_274 = arith.select %lt3A_258, %get3A_251, %get3A_255 : vector<16xi1>, vector<16xf32>
        %mul3A_275 = arith.mulf %sub3A_271, %select_n3A_273 : vector<16xf32>
        %mul3A_276 = arith.mulf %select_n3A_268, %select_n3A_274 : vector<16xf32>
        %add3A_277 = arith.addf %mul3A_275, %mul3A_276 : vector<16xf32>
        %swap3A_278 = arith.index_cast %scan3A_102 : i32 to index
        %swap3A_279 = arith.constant 48 : index
        %swap3A_280 = tpu.vector_load %arg7[%swap3A_278, %swap3A_279] {strides = array<i32>} : memref<256x128xf32, #tpu.memory_space<vmem>>, vector<1x16xf32>,
        %swap3A_281 = vector.shape_cast %swap3A_280 : vector<1x16xf32> to vector<16xf32>
        %swap3A_282 = vector.shape_cast %add3A_277 : vector<16xf32> to vector<1x16xf32>
        tpu.vector_store %arg7[%swap3A_278, %swap3A_279], %swap3A_282 {strides = array<i32>} : memref<256x128xf32, #tpu.memory_space<vmem>>, vector<1x16xf32>,
        %get3A_283 = arith.index_cast %scan3A_102 : i32 to index
        %get3A_284 = arith.constant 64 : index
        %get3A_285 = tpu.vector_load %arg6[%get3A_283, %get3A_284] {strides = array<i32>} : memref<256x128xf32, #tpu.memory_space<vmem>>, vector<1x16xf32>,
        %get3A_286 = vector.shape_cast %get3A_285 : vector<1x16xf32> to vector<16xf32>
        %get3A_287 = arith.index_cast %sub3A_109 : i32 to index
        %get3A_288 = arith.constant 64 : index
        %get3A_289 = tpu.vector_load %arg5[%get3A_287, %get3A_288] {strides = array<i32>} : memref<272x128xf32, #tpu.memory_space<vmem>>, vector<1x16xf32>,
        %get3A_290 = vector.shape_cast %get3A_289 : vector<1x16xf32> to vector<16xf32>
        %get3A_291 = arith.index_cast %sub3A_104 : i32 to index
        %get3A_292 = arith.constant 64 : index
        %get3A_293 = tpu.vector_load %arg5[%get3A_291, %get3A_292] {strides = array<i32>} : memref<272x128xf32, #tpu.memory_space<vmem>>, vector<1x16xf32>,
        %get3A_294 = vector.shape_cast %get3A_293 : vector<1x16xf32> to vector<16xf32>
        %get3A_295 = arith.index_cast %sub3A_114 : i32 to index
        %get3A_296 = arith.constant 64 : index
        %get3A_297 = tpu.vector_load %arg5[%get3A_295, %get3A_296] {strides = array<i32>} : memref<272x128xf32, #tpu.memory_space<vmem>>, vector<1x16xf32>,
        %get3A_298 = vector.shape_cast %get3A_297 : vector<1x16xf32> to vector<16xf32>
        %lt3A_299 = arith.constant 0.000000e+00 : f32
        %lt3A_300 = vector.broadcast %lt3A_299 : f32 to vector<16xf32>
        %lt3A_301 = arith.cmpf olt, %get3A_286, %lt3A_300 : vector<16xf32>
        %ge3A_302 = arith.constant 1.000000e+00 : f32
        %ge3A_303 = vector.broadcast %ge3A_302 : f32 to vector<16xf32>
        %ge3A_304 = arith.cmpf oge, %get3A_286, %ge3A_303 : vector<16xf32>
        %add3A_305 = arith.constant 1.000000e+00 : f32
        %add3A_306 = vector.broadcast %add3A_305 : f32 to vector<16xf32>
        %add3A_307 = arith.addf %get3A_286, %add3A_306 : vector<16xf32>
        %jit3A_308 = arith.constant 0.000000e+00 : f32
        %broadcast_in_dim3A_309 = vector.broadcast %jit3A_308 : f32 to vector<16xf32>
        %select_n3A_310 = arith.select %ge3A_304, %broadcast_in_dim3A_309, %get3A_286 : vector<16xi1>, vector<16xf32>
        %select_n3A_311 = arith.select %lt3A_301, %add3A_307, %select_n3A_310 : vector<16xi1>, vector<16xf32>
        %sub3A_312 = arith.constant 1.000000e+00 : f32
        %sub3A_313 = vector.broadcast %sub3A_312 : f32 to vector<16xf32>
        %sub3A_314 = arith.subf %sub3A_313, %select_n3A_311 : vector<16xf32>
        %select_n3A_315 = arith.select %ge3A_304, %get3A_298, %get3A_294 : vector<16xi1>, vector<16xf32>
        %select_n3A_316 = arith.select %lt3A_301, %get3A_290, %select_n3A_315 : vector<16xi1>, vector<16xf32>
        %select_n3A_317 = arith.select %lt3A_301, %get3A_294, %get3A_298 : vector<16xi1>, vector<16xf32>
        %mul3A_318 = arith.mulf %sub3A_314, %select_n3A_316 : vector<16xf32>
        %mul3A_319 = arith.mulf %select_n3A_311, %select_n3A_317 : vector<16xf32>
        %add3A_320 = arith.addf %mul3A_318, %mul3A_319 : vector<16xf32>
        %swap3A_321 = arith.index_cast %scan3A_102 : i32 to index
        %swap3A_322 = arith.constant 64 : index
        %swap3A_323 = tpu.vector_load %arg7[%swap3A_321, %swap3A_322] {strides = array<i32>} : memref<256x128xf32, #tpu.memory_space<vmem>>, vector<1x16xf32>,
        %swap3A_324 = vector.shape_cast %swap3A_323 : vector<1x16xf32> to vector<16xf32>
        %swap3A_325 = vector.shape_cast %add3A_320 : vector<16xf32> to vector<1x16xf32>
        tpu.vector_store %arg7[%swap3A_321, %swap3A_322], %swap3A_325 {strides = array<i32>} : memref<256x128xf32, #tpu.memory_space<vmem>>, vector<1x16xf32>,
        %get3A_326 = arith.index_cast %scan3A_102 : i32 to index
        %get3A_327 = arith.constant 80 : index
        %get3A_328 = tpu.vector_load %arg6[%get3A_326, %get3A_327] {strides = array<i32>} : memref<256x128xf32, #tpu.memory_space<vmem>>, vector<1x16xf32>,
        %get3A_329 = vector.shape_cast %get3A_328 : vector<1x16xf32> to vector<16xf32>
        %get3A_330 = arith.index_cast %sub3A_109 : i32 to index
        %get3A_331 = arith.constant 80 : index
        %get3A_332 = tpu.vector_load %arg5[%get3A_330, %get3A_331] {strides = array<i32>} : memref<272x128xf32, #tpu.memory_space<vmem>>, vector<1x16xf32>,
        %get3A_333 = vector.shape_cast %get3A_332 : vector<1x16xf32> to vector<16xf32>
        %get3A_334 = arith.index_cast %sub3A_104 : i32 to index
        %get3A_335 = arith.constant 80 : index
        %get3A_336 = tpu.vector_load %arg5[%get3A_334, %get3A_335] {strides = array<i32>} : memref<272x128xf32, #tpu.memory_space<vmem>>, vector<1x16xf32>,
        %get3A_337 = vector.shape_cast %get3A_336 : vector<1x16xf32> to vector<16xf32>
        %get3A_338 = arith.index_cast %sub3A_114 : i32 to index
        %get3A_339 = arith.constant 80 : index
        %get3A_340 = tpu.vector_load %arg5[%get3A_338, %get3A_339] {strides = array<i32>} : memref<272x128xf32, #tpu.memory_space<vmem>>, vector<1x16xf32>,
        %get3A_341 = vector.shape_cast %get3A_340 : vector<1x16xf32> to vector<16xf32>
        %lt3A_342 = arith.constant 0.000000e+00 : f32
        %lt3A_343 = vector.broadcast %lt3A_342 : f32 to vector<16xf32>
        %lt3A_344 = arith.cmpf olt, %get3A_329, %lt3A_343 : vector<16xf32>
        %ge3A_345 = arith.constant 1.000000e+00 : f32
        %ge3A_346 = vector.broadcast %ge3A_345 : f32 to vector<16xf32>
        %ge3A_347 = arith.cmpf oge, %get3A_329, %ge3A_346 : vector<16xf32>
        %add3A_348 = arith.constant 1.000000e+00 : f32
        %add3A_349 = vector.broadcast %add3A_348 : f32 to vector<16xf32>
        %add3A_350 = arith.addf %get3A_329, %add3A_349 : vector<16xf32>
        %jit3A_351 = arith.constant 0.000000e+00 : f32
        %broadcast_in_dim3A_352 = vector.broadcast %jit3A_351 : f32 to vector<16xf32>
        %select_n3A_353 = arith.select %ge3A_347, %broadcast_in_dim3A_352, %get3A_329 : vector<16xi1>, vector<16xf32>
        %select_n3A_354 = arith.select %lt3A_344, %add3A_350, %select_n3A_353 : vector<16xi1>, vector<16xf32>
        %sub3A_355 = arith.constant 1.000000e+00 : f32
        %sub3A_356 = vector.broadcast %sub3A_355 : f32 to vector<16xf32>
        %sub3A_357 = arith.subf %sub3A_356, %select_n3A_354 : vector<16xf32>
        %select_n3A_358 = arith.select %ge3A_347, %get3A_341, %get3A_337 : vector<16xi1>, vector<16xf32>
        %select_n3A_359 = arith.select %lt3A_344, %get3A_333, %select_n3A_358 : vector<16xi1>, vector<16xf32>
        %select_n3A_360 = arith.select %lt3A_344, %get3A_337, %get3A_341 : vector<16xi1>, vector<16xf32>
        %mul3A_361 = arith.mulf %sub3A_357, %select_n3A_359 : vector<16xf32>
        %mul3A_362 = arith.mulf %select_n3A_354, %select_n3A_360 : vector<16xf32>
        %add3A_363 = arith.addf %mul3A_361, %mul3A_362 : vector<16xf32>
        %swap3A_364 = arith.index_cast %scan3A_102 : i32 to index
        %swap3A_365 = arith.constant 80 : index
        %swap3A_366 = tpu.vector_load %arg7[%swap3A_364, %swap3A_365] {strides = array<i32>} : memref<256x128xf32, #tpu.memory_space<vmem>>, vector<1x16xf32>,
        %swap3A_367 = vector.shape_cast %swap3A_366 : vector<1x16xf32> to vector<16xf32>
        %swap3A_368 = vector.shape_cast %add3A_363 : vector<16xf32> to vector<1x16xf32>
        tpu.vector_store %arg7[%swap3A_364, %swap3A_365], %swap3A_368 {strides = array<i32>} : memref<256x128xf32, #tpu.memory_space<vmem>>, vector<1x16xf32>,
        %get3A_369 = arith.index_cast %scan3A_102 : i32 to index
        %get3A_370 = arith.constant 96 : index
        %get3A_371 = tpu.vector_load %arg6[%get3A_369, %get3A_370] {strides = array<i32>} : memref<256x128xf32, #tpu.memory_space<vmem>>, vector<1x16xf32>,
        %get3A_372 = vector.shape_cast %get3A_371 : vector<1x16xf32> to vector<16xf32>
        %get3A_373 = arith.index_cast %sub3A_109 : i32 to index
        %get3A_374 = arith.constant 96 : index
        %get3A_375 = tpu.vector_load %arg5[%get3A_373, %get3A_374] {strides = array<i32>} : memref<272x128xf32, #tpu.memory_space<vmem>>, vector<1x16xf32>,
        %get3A_376 = vector.shape_cast %get3A_375 : vector<1x16xf32> to vector<16xf32>
        %get3A_377 = arith.index_cast %sub3A_104 : i32 to index
        %get3A_378 = arith.constant 96 : index
        %get3A_379 = tpu.vector_load %arg5[%get3A_377, %get3A_378] {strides = array<i32>} : memref<272x128xf32, #tpu.memory_space<vmem>>, vector<1x16xf32>,
        %get3A_380 = vector.shape_cast %get3A_379 : vector<1x16xf32> to vector<16xf32>
        %get3A_381 = arith.index_cast %sub3A_114 : i32 to index
        %get3A_382 = arith.constant 96 : index
        %get3A_383 = tpu.vector_load %arg5[%get3A_381, %get3A_382] {strides = array<i32>} : memref<272x128xf32, #tpu.memory_space<vmem>>, vector<1x16xf32>,
        %get3A_384 = vector.shape_cast %get3A_383 : vector<1x16xf32> to vector<16xf32>
        %lt3A_385 = arith.constant 0.000000e+00 : f32
        %lt3A_386 = vector.broadcast %lt3A_385 : f32 to vector<16xf32>
        %lt3A_387 = arith.cmpf olt, %get3A_372, %lt3A_386 : vector<16xf32>
        %ge3A_388 = arith.constant 1.000000e+00 : f32
        %ge3A_389 = vector.broadcast %ge3A_388 : f32 to vector<16xf32>
        %ge3A_390 = arith.cmpf oge, %get3A_372, %ge3A_389 : vector<16xf32>
        %add3A_391 = arith.constant 1.000000e+00 : f32
        %add3A_392 = vector.broadcast %add3A_391 : f32 to vector<16xf32>
        %add3A_393 = arith.addf %get3A_372, %add3A_392 : vector<16xf32>
        %jit3A_394 = arith.constant 0.000000e+00 : f32
        %broadcast_in_dim3A_395 = vector.broadcast %jit3A_394 : f32 to vector<16xf32>
        %select_n3A_396 = arith.select %ge3A_390, %broadcast_in_dim3A_395, %get3A_372 : vector<16xi1>, vector<16xf32>
        %select_n3A_397 = arith.select %lt3A_387, %add3A_393, %select_n3A_396 : vector<16xi1>, vector<16xf32>
        %sub3A_398 = arith.constant 1.000000e+00 : f32
        %sub3A_399 = vector.broadcast %sub3A_398 : f32 to vector<16xf32>
        %sub3A_400 = arith.subf %sub3A_399, %select_n3A_397 : vector<16xf32>
        %select_n3A_401 = arith.select %ge3A_390, %get3A_384, %get3A_380 : vector<16xi1>, vector<16xf32>
        %select_n3A_402 = arith.select %lt3A_387, %get3A_376, %select_n3A_401 : vector<16xi1>, vector<16xf32>
        %select_n3A_403 = arith.select %lt3A_387, %get3A_380, %get3A_384 : vector<16xi1>, vector<16xf32>
        %mul3A_404 = arith.mulf %sub3A_400, %select_n3A_402 : vector<16xf32>
        %mul3A_405 = arith.mulf %select_n3A_397, %select_n3A_403 : vector<16xf32>
        %add3A_406 = arith.addf %mul3A_404, %mul3A_405 : vector<16xf32>
        %swap3A_407 = arith.index_cast %scan3A_102 : i32 to index
        %swap3A_408 = arith.constant 96 : index
        %swap3A_409 = tpu.vector_load %arg7[%swap3A_407, %swap3A_408] {strides = array<i32>} : memref<256x128xf32, #tpu.memory_space<vmem>>, vector<1x16xf32>,
        %swap3A_410 = vector.shape_cast %swap3A_409 : vector<1x16xf32> to vector<16xf32>
        %swap3A_411 = vector.shape_cast %add3A_406 : vector<16xf32> to vector<1x16xf32>
        tpu.vector_store %arg7[%swap3A_407, %swap3A_408], %swap3A_411 {strides = array<i32>} : memref<256x128xf32, #tpu.memory_space<vmem>>, vector<1x16xf32>,
        %get3A_412 = arith.index_cast %scan3A_102 : i32 to index
        %get3A_413 = arith.constant 112 : index
        %get3A_414 = tpu.vector_load %arg6[%get3A_412, %get3A_413] {strides = array<i32>} : memref<256x128xf32, #tpu.memory_space<vmem>>, vector<1x16xf32>,
        %get3A_415 = vector.shape_cast %get3A_414 : vector<1x16xf32> to vector<16xf32>
        %get3A_416 = arith.index_cast %sub3A_109 : i32 to index
        %get3A_417 = arith.constant 112 : index
        %get3A_418 = tpu.vector_load %arg5[%get3A_416, %get3A_417] {strides = array<i32>} : memref<272x128xf32, #tpu.memory_space<vmem>>, vector<1x16xf32>,
        %get3A_419 = vector.shape_cast %get3A_418 : vector<1x16xf32> to vector<16xf32>
        %get3A_420 = arith.index_cast %sub3A_104 : i32 to index
        %get3A_421 = arith.constant 112 : index
        %get3A_422 = tpu.vector_load %arg5[%get3A_420, %get3A_421] {strides = array<i32>} : memref<272x128xf32, #tpu.memory_space<vmem>>, vector<1x16xf32>,
        %get3A_423 = vector.shape_cast %get3A_422 : vector<1x16xf32> to vector<16xf32>
        %get3A_424 = arith.index_cast %sub3A_114 : i32 to index
        %get3A_425 = arith.constant 112 : index
        %get3A_426 = tpu.vector_load %arg5[%get3A_424, %get3A_425] {strides = array<i32>} : memref<272x128xf32, #tpu.memory_space<vmem>>, vector<1x16xf32>,
        %get3A_427 = vector.shape_cast %get3A_426 : vector<1x16xf32> to vector<16xf32>
        %lt3A_428 = arith.constant 0.000000e+00 : f32
        %lt3A_429 = vector.broadcast %lt3A_428 : f32 to vector<16xf32>
        %lt3A_430 = arith.cmpf olt, %get3A_415, %lt3A_429 : vector<16xf32>
        %ge3A_431 = arith.constant 1.000000e+00 : f32
        %ge3A_432 = vector.broadcast %ge3A_431 : f32 to vector<16xf32>
        %ge3A_433 = arith.cmpf oge, %get3A_415, %ge3A_432 : vector<16xf32>
        %add3A_434 = arith.constant 1.000000e+00 : f32
        %add3A_435 = vector.broadcast %add3A_434 : f32 to vector<16xf32>
        %add3A_436 = arith.addf %get3A_415, %add3A_435 : vector<16xf32>
        %jit3A_437 = arith.constant 0.000000e+00 : f32
        %broadcast_in_dim3A_438 = vector.broadcast %jit3A_437 : f32 to vector<16xf32>
        %select_n3A_439 = arith.select %ge3A_433, %broadcast_in_dim3A_438, %get3A_415 : vector<16xi1>, vector<16xf32>
        %select_n3A_440 = arith.select %lt3A_430, %add3A_436, %select_n3A_439 : vector<16xi1>, vector<16xf32>
        %sub3A_441 = arith.constant 1.000000e+00 : f32
        %sub3A_442 = vector.broadcast %sub3A_441 : f32 to vector<16xf32>
        %sub3A_443 = arith.subf %sub3A_442, %select_n3A_440 : vector<16xf32>
        %select_n3A_444 = arith.select %ge3A_433, %get3A_427, %get3A_423 : vector<16xi1>, vector<16xf32>
        %select_n3A_445 = arith.select %lt3A_430, %get3A_419, %select_n3A_444 : vector<16xi1>, vector<16xf32>
        %select_n3A_446 = arith.select %lt3A_430, %get3A_423, %get3A_427 : vector<16xi1>, vector<16xf32>
        %mul3A_447 = arith.mulf %sub3A_443, %select_n3A_445 : vector<16xf32>
        %mul3A_448 = arith.mulf %select_n3A_440, %select_n3A_446 : vector<16xf32>
        %add3A_449 = arith.addf %mul3A_447, %mul3A_448 : vector<16xf32>
        %swap3A_450 = arith.index_cast %scan3A_102 : i32 to index
        %swap3A_451 = arith.constant 112 : index
        %swap3A_452 = tpu.vector_load %arg7[%swap3A_450, %swap3A_451] {strides = array<i32>} : memref<256x128xf32, #tpu.memory_space<vmem>>, vector<1x16xf32>,
        %swap3A_453 = vector.shape_cast %swap3A_452 : vector<1x16xf32> to vector<16xf32>
        %swap3A_454 = vector.shape_cast %add3A_449 : vector<16xf32> to vector<1x16xf32>
        tpu.vector_store %arg7[%swap3A_450, %swap3A_451], %swap3A_454 {strides = array<i32>} : memref<256x128xf32, #tpu.memory_space<vmem>>, vector<1x16xf32>,
      }
      %scan3A_93 = arith.constant 256 : i32
      %eq3A_94 = arith.constant 0 : i32
      %eq3A_95 = arith.cmpi eq, %select_n3A_18, %eq3A_94 : i32
      %convert_element_type3A = arith.extui %eq3A_95 : i1 to i32
      %cond3A = arith.constant 0 : i32
      %cond3A_96 = arith.cmpi ne, %convert_element_type3A, %cond3A : i32
      scf.if %cond3A_96 {
        %get3A = arith.constant 0 : i32
        %get3A_102 = arith.index_cast %get3A : i32 to index
        %get3A_103 = arith.constant 0 : index
        %get3A_104 = tpu.vector_load %arg6[%get3A_102, %get3A_103] {strides = array<i32>} : memref<256x128xf32, #tpu.memory_space<vmem>>, vector<1x16xf32>,
        %get3A_105 = vector.shape_cast %get3A_104 : vector<1x16xf32> to vector<16xf32>
        %lt3A_106 = arith.constant 0.000000e+00 : f32
        %lt3A_107 = vector.broadcast %lt3A_106 : f32 to vector<16xf32>
        %lt3A_108 = arith.cmpf olt, %get3A_105, %lt3A_107 : vector<16xf32>
        %get3A_109 = arith.constant 0 : i32
        %get3A_110 = arith.index_cast %get3A_109 : i32 to index
        %get3A_111 = arith.constant 0 : index
        %get3A_112 = tpu.vector_load %arg7[%get3A_110, %get3A_111] {strides = array<i32>} : memref<256x128xf32, #tpu.memory_space<vmem>>, vector<1x16xf32>,
        %get3A_113 = vector.shape_cast %get3A_112 : vector<1x16xf32> to vector<16xf32>
        %jit3A_114 = arith.constant 0.000000e+00 : f32
        %broadcast_in_dim3A = vector.broadcast %jit3A_114 : f32 to vector<16xf32>
        %select_n3A_115 = arith.select %lt3A_108, %broadcast_in_dim3A, %get3A_113 : vector<16xi1>, vector<16xf32>
        %swap3A = arith.constant 0 : i32
        %swap3A_116 = arith.index_cast %swap3A : i32 to index
        %swap3A_117 = arith.constant 0 : index
        %swap3A_118 = tpu.vector_load %arg7[%swap3A_116, %swap3A_117] {strides = array<i32>} : memref<256x128xf32, #tpu.memory_space<vmem>>, vector<1x16xf32>,
        %swap3A_119 = vector.shape_cast %swap3A_118 : vector<1x16xf32> to vector<16xf32>
        %swap3A_120 = vector.shape_cast %select_n3A_115 : vector<16xf32> to vector<1x16xf32>
        tpu.vector_store %arg7[%swap3A_116, %swap3A_117], %swap3A_120 {strides = array<i32>} : memref<256x128xf32, #tpu.memory_space<vmem>>, vector<1x16xf32>,
        %get3A_121 = arith.constant 0 : i32
        %get3A_122 = arith.index_cast %get3A_121 : i32 to index
        %get3A_123 = arith.constant 16 : index
        %get3A_124 = tpu.vector_load %arg6[%get3A_122, %get3A_123] {strides = array<i32>} : memref<256x128xf32, #tpu.memory_space<vmem>>, vector<1x16xf32>,
        %get3A_125 = vector.shape_cast %get3A_124 : vector<1x16xf32> to vector<16xf32>
        %lt3A_126 = arith.constant 0.000000e+00 : f32
        %lt3A_127 = vector.broadcast %lt3A_126 : f32 to vector<16xf32>
        %lt3A_128 = arith.cmpf olt, %get3A_125, %lt3A_127 : vector<16xf32>
        %get3A_129 = arith.constant 0 : i32
        %get3A_130 = arith.index_cast %get3A_129 : i32 to index
        %get3A_131 = arith.constant 16 : index
        %get3A_132 = tpu.vector_load %arg7[%get3A_130, %get3A_131] {strides = array<i32>} : memref<256x128xf32, #tpu.memory_space<vmem>>, vector<1x16xf32>,
        %get3A_133 = vector.shape_cast %get3A_132 : vector<1x16xf32> to vector<16xf32>
        %jit3A_134 = arith.constant 0.000000e+00 : f32
        %broadcast_in_dim3A_135 = vector.broadcast %jit3A_134 : f32 to vector<16xf32>
        %select_n3A_136 = arith.select %lt3A_128, %broadcast_in_dim3A_135, %get3A_133 : vector<16xi1>, vector<16xf32>
        %swap3A_137 = arith.constant 0 : i32
        %swap3A_138 = arith.index_cast %swap3A_137 : i32 to index
        %swap3A_139 = arith.constant 16 : index
        %swap3A_140 = tpu.vector_load %arg7[%swap3A_138, %swap3A_139] {strides = array<i32>} : memref<256x128xf32, #tpu.memory_space<vmem>>, vector<1x16xf32>,
        %swap3A_141 = vector.shape_cast %swap3A_140 : vector<1x16xf32> to vector<16xf32>
        %swap3A_142 = vector.shape_cast %select_n3A_136 : vector<16xf32> to vector<1x16xf32>
        tpu.vector_store %arg7[%swap3A_138, %swap3A_139], %swap3A_142 {strides = array<i32>} : memref<256x128xf32, #tpu.memory_space<vmem>>, vector<1x16xf32>,
        %get3A_143 = arith.constant 0 : i32
        %get3A_144 = arith.index_cast %get3A_143 : i32 to index
        %get3A_145 = arith.constant 32 : index
        %get3A_146 = tpu.vector_load %arg6[%get3A_144, %get3A_145] {strides = array<i32>} : memref<256x128xf32, #tpu.memory_space<vmem>>, vector<1x16xf32>,
        %get3A_147 = vector.shape_cast %get3A_146 : vector<1x16xf32> to vector<16xf32>
        %lt3A_148 = arith.constant 0.000000e+00 : f32
        %lt3A_149 = vector.broadcast %lt3A_148 : f32 to vector<16xf32>
        %lt3A_150 = arith.cmpf olt, %get3A_147, %lt3A_149 : vector<16xf32>
        %get3A_151 = arith.constant 0 : i32
        %get3A_152 = arith.index_cast %get3A_151 : i32 to index
        %get3A_153 = arith.constant 32 : index
        %get3A_154 = tpu.vector_load %arg7[%get3A_152, %get3A_153] {strides = array<i32>} : memref<256x128xf32, #tpu.memory_space<vmem>>, vector<1x16xf32>,
        %get3A_155 = vector.shape_cast %get3A_154 : vector<1x16xf32> to vector<16xf32>
        %jit3A_156 = arith.constant 0.000000e+00 : f32
        %broadcast_in_dim3A_157 = vector.broadcast %jit3A_156 : f32 to vector<16xf32>
        %select_n3A_158 = arith.select %lt3A_150, %broadcast_in_dim3A_157, %get3A_155 : vector<16xi1>, vector<16xf32>
        %swap3A_159 = arith.constant 0 : i32
        %swap3A_160 = arith.index_cast %swap3A_159 : i32 to index
        %swap3A_161 = arith.constant 32 : index
        %swap3A_162 = tpu.vector_load %arg7[%swap3A_160, %swap3A_161] {strides = array<i32>} : memref<256x128xf32, #tpu.memory_space<vmem>>, vector<1x16xf32>,
        %swap3A_163 = vector.shape_cast %swap3A_162 : vector<1x16xf32> to vector<16xf32>
        %swap3A_164 = vector.shape_cast %select_n3A_158 : vector<16xf32> to vector<1x16xf32>
        tpu.vector_store %arg7[%swap3A_160, %swap3A_161], %swap3A_164 {strides = array<i32>} : memref<256x128xf32, #tpu.memory_space<vmem>>, vector<1x16xf32>,
        %get3A_165 = arith.constant 0 : i32
        %get3A_166 = arith.index_cast %get3A_165 : i32 to index
        %get3A_167 = arith.constant 48 : index
        %get3A_168 = tpu.vector_load %arg6[%get3A_166, %get3A_167] {strides = array<i32>} : memref<256x128xf32, #tpu.memory_space<vmem>>, vector<1x16xf32>,
        %get3A_169 = vector.shape_cast %get3A_168 : vector<1x16xf32> to vector<16xf32>
        %lt3A_170 = arith.constant 0.000000e+00 : f32
        %lt3A_171 = vector.broadcast %lt3A_170 : f32 to vector<16xf32>
        %lt3A_172 = arith.cmpf olt, %get3A_169, %lt3A_171 : vector<16xf32>
        %get3A_173 = arith.constant 0 : i32
        %get3A_174 = arith.index_cast %get3A_173 : i32 to index
        %get3A_175 = arith.constant 48 : index
        %get3A_176 = tpu.vector_load %arg7[%get3A_174, %get3A_175] {strides = array<i32>} : memref<256x128xf32, #tpu.memory_space<vmem>>, vector<1x16xf32>,
        %get3A_177 = vector.shape_cast %get3A_176 : vector<1x16xf32> to vector<16xf32>
        %jit3A_178 = arith.constant 0.000000e+00 : f32
        %broadcast_in_dim3A_179 = vector.broadcast %jit3A_178 : f32 to vector<16xf32>
        %select_n3A_180 = arith.select %lt3A_172, %broadcast_in_dim3A_179, %get3A_177 : vector<16xi1>, vector<16xf32>
        %swap3A_181 = arith.constant 0 : i32
        %swap3A_182 = arith.index_cast %swap3A_181 : i32 to index
        %swap3A_183 = arith.constant 48 : index
        %swap3A_184 = tpu.vector_load %arg7[%swap3A_182, %swap3A_183] {strides = array<i32>} : memref<256x128xf32, #tpu.memory_space<vmem>>, vector<1x16xf32>,
        %swap3A_185 = vector.shape_cast %swap3A_184 : vector<1x16xf32> to vector<16xf32>
        %swap3A_186 = vector.shape_cast %select_n3A_180 : vector<16xf32> to vector<1x16xf32>
        tpu.vector_store %arg7[%swap3A_182, %swap3A_183], %swap3A_186 {strides = array<i32>} : memref<256x128xf32, #tpu.memory_space<vmem>>, vector<1x16xf32>,
        %get3A_187 = arith.constant 0 : i32
        %get3A_188 = arith.index_cast %get3A_187 : i32 to index
        %get3A_189 = arith.constant 64 : index
        %get3A_190 = tpu.vector_load %arg6[%get3A_188, %get3A_189] {strides = array<i32>} : memref<256x128xf32, #tpu.memory_space<vmem>>, vector<1x16xf32>,
        %get3A_191 = vector.shape_cast %get3A_190 : vector<1x16xf32> to vector<16xf32>
        %lt3A_192 = arith.constant 0.000000e+00 : f32
        %lt3A_193 = vector.broadcast %lt3A_192 : f32 to vector<16xf32>
        %lt3A_194 = arith.cmpf olt, %get3A_191, %lt3A_193 : vector<16xf32>
        %get3A_195 = arith.constant 0 : i32
        %get3A_196 = arith.index_cast %get3A_195 : i32 to index
        %get3A_197 = arith.constant 64 : index
        %get3A_198 = tpu.vector_load %arg7[%get3A_196, %get3A_197] {strides = array<i32>} : memref<256x128xf32, #tpu.memory_space<vmem>>, vector<1x16xf32>,
        %get3A_199 = vector.shape_cast %get3A_198 : vector<1x16xf32> to vector<16xf32>
        %jit3A_200 = arith.constant 0.000000e+00 : f32
        %broadcast_in_dim3A_201 = vector.broadcast %jit3A_200 : f32 to vector<16xf32>
        %select_n3A_202 = arith.select %lt3A_194, %broadcast_in_dim3A_201, %get3A_199 : vector<16xi1>, vector<16xf32>
        %swap3A_203 = arith.constant 0 : i32
        %swap3A_204 = arith.index_cast %swap3A_203 : i32 to index
        %swap3A_205 = arith.constant 64 : index
        %swap3A_206 = tpu.vector_load %arg7[%swap3A_204, %swap3A_205] {strides = array<i32>} : memref<256x128xf32, #tpu.memory_space<vmem>>, vector<1x16xf32>,
        %swap3A_207 = vector.shape_cast %swap3A_206 : vector<1x16xf32> to vector<16xf32>
        %swap3A_208 = vector.shape_cast %select_n3A_202 : vector<16xf32> to vector<1x16xf32>
        tpu.vector_store %arg7[%swap3A_204, %swap3A_205], %swap3A_208 {strides = array<i32>} : memref<256x128xf32, #tpu.memory_space<vmem>>, vector<1x16xf32>,
        %get3A_209 = arith.constant 0 : i32
        %get3A_210 = arith.index_cast %get3A_209 : i32 to index
        %get3A_211 = arith.constant 80 : index
        %get3A_212 = tpu.vector_load %arg6[%get3A_210, %get3A_211] {strides = array<i32>} : memref<256x128xf32, #tpu.memory_space<vmem>>, vector<1x16xf32>,
        %get3A_213 = vector.shape_cast %get3A_212 : vector<1x16xf32> to vector<16xf32>
        %lt3A_214 = arith.constant 0.000000e+00 : f32
        %lt3A_215 = vector.broadcast %lt3A_214 : f32 to vector<16xf32>
        %lt3A_216 = arith.cmpf olt, %get3A_213, %lt3A_215 : vector<16xf32>
        %get3A_217 = arith.constant 0 : i32
        %get3A_218 = arith.index_cast %get3A_217 : i32 to index
        %get3A_219 = arith.constant 80 : index
        %get3A_220 = tpu.vector_load %arg7[%get3A_218, %get3A_219] {strides = array<i32>} : memref<256x128xf32, #tpu.memory_space<vmem>>, vector<1x16xf32>,
        %get3A_221 = vector.shape_cast %get3A_220 : vector<1x16xf32> to vector<16xf32>
        %jit3A_222 = arith.constant 0.000000e+00 : f32
        %broadcast_in_dim3A_223 = vector.broadcast %jit3A_222 : f32 to vector<16xf32>
        %select_n3A_224 = arith.select %lt3A_216, %broadcast_in_dim3A_223, %get3A_221 : vector<16xi1>, vector<16xf32>
        %swap3A_225 = arith.constant 0 : i32
        %swap3A_226 = arith.index_cast %swap3A_225 : i32 to index
        %swap3A_227 = arith.constant 80 : index
        %swap3A_228 = tpu.vector_load %arg7[%swap3A_226, %swap3A_227] {strides = array<i32>} : memref<256x128xf32, #tpu.memory_space<vmem>>, vector<1x16xf32>,
        %swap3A_229 = vector.shape_cast %swap3A_228 : vector<1x16xf32> to vector<16xf32>
        %swap3A_230 = vector.shape_cast %select_n3A_224 : vector<16xf32> to vector<1x16xf32>
        tpu.vector_store %arg7[%swap3A_226, %swap3A_227], %swap3A_230 {strides = array<i32>} : memref<256x128xf32, #tpu.memory_space<vmem>>, vector<1x16xf32>,
        %get3A_231 = arith.constant 0 : i32
        %get3A_232 = arith.index_cast %get3A_231 : i32 to index
        %get3A_233 = arith.constant 96 : index
        %get3A_234 = tpu.vector_load %arg6[%get3A_232, %get3A_233] {strides = array<i32>} : memref<256x128xf32, #tpu.memory_space<vmem>>, vector<1x16xf32>,
        %get3A_235 = vector.shape_cast %get3A_234 : vector<1x16xf32> to vector<16xf32>
        %lt3A_236 = arith.constant 0.000000e+00 : f32
        %lt3A_237 = vector.broadcast %lt3A_236 : f32 to vector<16xf32>
        %lt3A_238 = arith.cmpf olt, %get3A_235, %lt3A_237 : vector<16xf32>
        %get3A_239 = arith.constant 0 : i32
        %get3A_240 = arith.index_cast %get3A_239 : i32 to index
        %get3A_241 = arith.constant 96 : index
        %get3A_242 = tpu.vector_load %arg7[%get3A_240, %get3A_241] {strides = array<i32>} : memref<256x128xf32, #tpu.memory_space<vmem>>, vector<1x16xf32>,
        %get3A_243 = vector.shape_cast %get3A_242 : vector<1x16xf32> to vector<16xf32>
        %jit3A_244 = arith.constant 0.000000e+00 : f32
        %broadcast_in_dim3A_245 = vector.broadcast %jit3A_244 : f32 to vector<16xf32>
        %select_n3A_246 = arith.select %lt3A_238, %broadcast_in_dim3A_245, %get3A_243 : vector<16xi1>, vector<16xf32>
        %swap3A_247 = arith.constant 0 : i32
        %swap3A_248 = arith.index_cast %swap3A_247 : i32 to index
        %swap3A_249 = arith.constant 96 : index
        %swap3A_250 = tpu.vector_load %arg7[%swap3A_248, %swap3A_249] {strides = array<i32>} : memref<256x128xf32, #tpu.memory_space<vmem>>, vector<1x16xf32>,
        %swap3A_251 = vector.shape_cast %swap3A_250 : vector<1x16xf32> to vector<16xf32>
        %swap3A_252 = vector.shape_cast %select_n3A_246 : vector<16xf32> to vector<1x16xf32>
        tpu.vector_store %arg7[%swap3A_248, %swap3A_249], %swap3A_252 {strides = array<i32>} : memref<256x128xf32, #tpu.memory_space<vmem>>, vector<1x16xf32>,
        %get3A_253 = arith.constant 0 : i32
        %get3A_254 = arith.index_cast %get3A_253 : i32 to index
        %get3A_255 = arith.constant 112 : index
        %get3A_256 = tpu.vector_load %arg6[%get3A_254, %get3A_255] {strides = array<i32>} : memref<256x128xf32, #tpu.memory_space<vmem>>, vector<1x16xf32>,
        %get3A_257 = vector.shape_cast %get3A_256 : vector<1x16xf32> to vector<16xf32>
        %lt3A_258 = arith.constant 0.000000e+00 : f32
        %lt3A_259 = vector.broadcast %lt3A_258 : f32 to vector<16xf32>
        %lt3A_260 = arith.cmpf olt, %get3A_257, %lt3A_259 : vector<16xf32>
        %get3A_261 = arith.constant 0 : i32
        %get3A_262 = arith.index_cast %get3A_261 : i32 to index
        %get3A_263 = arith.constant 112 : index
        %get3A_264 = tpu.vector_load %arg7[%get3A_262, %get3A_263] {strides = array<i32>} : memref<256x128xf32, #tpu.memory_space<vmem>>, vector<1x16xf32>,
        %get3A_265 = vector.shape_cast %get3A_264 : vector<1x16xf32> to vector<16xf32>
        %jit3A_266 = arith.constant 0.000000e+00 : f32
        %broadcast_in_dim3A_267 = vector.broadcast %jit3A_266 : f32 to vector<16xf32>
        %select_n3A_268 = arith.select %lt3A_260, %broadcast_in_dim3A_267, %get3A_265 : vector<16xi1>, vector<16xf32>
        %swap3A_269 = arith.constant 0 : i32
        %swap3A_270 = arith.index_cast %swap3A_269 : i32 to index
        %swap3A_271 = arith.constant 112 : index
        %swap3A_272 = tpu.vector_load %arg7[%swap3A_270, %swap3A_271] {strides = array<i32>} : memref<256x128xf32, #tpu.memory_space<vmem>>, vector<1x16xf32>,
        %swap3A_273 = vector.shape_cast %swap3A_272 : vector<1x16xf32> to vector<16xf32>
        %swap3A_274 = vector.shape_cast %select_n3A_268 : vector<16xf32> to vector<1x16xf32>
        tpu.vector_store %arg7[%swap3A_270, %swap3A_271], %swap3A_274 {strides = array<i32>} : memref<256x128xf32, #tpu.memory_space<vmem>>, vector<1x16xf32>,
      } else {
      }
      %eq3A_97 = arith.constant 7 : i32
      %eq3A_98 = arith.cmpi eq, %select_n3A_18, %eq3A_97 : i32
      %convert_element_type3A_99 = arith.extui %eq3A_98 : i1 to i32
      %cond3A_100 = arith.constant 0 : i32
      %cond3A_101 = arith.cmpi ne, %convert_element_type3A_99, %cond3A_100 : i32
      scf.if %cond3A_101 {
        %get3A = arith.constant 255 : i32
        %get3A_102 = arith.index_cast %get3A : i32 to index
        %get3A_103 = arith.constant 0 : index
        %get3A_104 = tpu.vector_load %arg6[%get3A_102, %get3A_103] {strides = array<i32>} : memref<256x128xf32, #tpu.memory_space<vmem>>, vector<1x16xf32>,
        %get3A_105 = vector.shape_cast %get3A_104 : vector<1x16xf32> to vector<16xf32>
        %lt3A_106 = arith.constant 0.000000e+00 : f32
        %lt3A_107 = vector.broadcast %lt3A_106 : f32 to vector<16xf32>
        %lt3A_108 = arith.cmpf olt, %get3A_105, %lt3A_107 : vector<16xf32>
        %get3A_109 = arith.constant 255 : i32
        %get3A_110 = arith.index_cast %get3A_109 : i32 to index
        %get3A_111 = arith.constant 0 : index
        %get3A_112 = tpu.vector_load %arg7[%get3A_110, %get3A_111] {strides = array<i32>} : memref<256x128xf32, #tpu.memory_space<vmem>>, vector<1x16xf32>,
        %get3A_113 = vector.shape_cast %get3A_112 : vector<1x16xf32> to vector<16xf32>
        %jit3A_114 = arith.constant 0.000000e+00 : f32
        %broadcast_in_dim3A = vector.broadcast %jit3A_114 : f32 to vector<16xf32>
        %select_n3A_115 = arith.select %lt3A_108, %get3A_113, %broadcast_in_dim3A : vector<16xi1>, vector<16xf32>
        %swap3A = arith.constant 255 : i32
        %swap3A_116 = arith.index_cast %swap3A : i32 to index
        %swap3A_117 = arith.constant 0 : index
        %swap3A_118 = tpu.vector_load %arg7[%swap3A_116, %swap3A_117] {strides = array<i32>} : memref<256x128xf32, #tpu.memory_space<vmem>>, vector<1x16xf32>,
        %swap3A_119 = vector.shape_cast %swap3A_118 : vector<1x16xf32> to vector<16xf32>
        %swap3A_120 = vector.shape_cast %select_n3A_115 : vector<16xf32> to vector<1x16xf32>
        tpu.vector_store %arg7[%swap3A_116, %swap3A_117], %swap3A_120 {strides = array<i32>} : memref<256x128xf32, #tpu.memory_space<vmem>>, vector<1x16xf32>,
        %get3A_121 = arith.constant 254 : i32
        %get3A_122 = arith.index_cast %get3A_121 : i32 to index
        %get3A_123 = arith.constant 0 : index
        %get3A_124 = tpu.vector_load %arg6[%get3A_122, %get3A_123] {strides = array<i32>} : memref<256x128xf32, #tpu.memory_space<vmem>>, vector<1x16xf32>,
        %get3A_125 = vector.shape_cast %get3A_124 : vector<1x16xf32> to vector<16xf32>
        %ge3A = arith.constant 1.000000e+00 : f32
        %ge3A_126 = vector.broadcast %ge3A : f32 to vector<16xf32>
        %ge3A_127 = arith.cmpf oge, %get3A_125, %ge3A_126 : vector<16xf32>
        %get3A_128 = arith.constant 254 : i32
        %get3A_129 = arith.index_cast %get3A_128 : i32 to index
        %get3A_130 = arith.constant 0 : index
        %get3A_131 = tpu.vector_load %arg7[%get3A_129, %get3A_130] {strides = array<i32>} : memref<256x128xf32, #tpu.memory_space<vmem>>, vector<1x16xf32>,
        %get3A_132 = vector.shape_cast %get3A_131 : vector<1x16xf32> to vector<16xf32>
        %jit3A_133 = arith.constant 0.000000e+00 : f32
        %broadcast_in_dim3A_134 = vector.broadcast %jit3A_133 : f32 to vector<16xf32>
        %select_n3A_135 = arith.select %ge3A_127, %broadcast_in_dim3A_134, %get3A_132 : vector<16xi1>, vector<16xf32>
        %swap3A_136 = arith.constant 254 : i32
        %swap3A_137 = arith.index_cast %swap3A_136 : i32 to index
        %swap3A_138 = arith.constant 0 : index
        %swap3A_139 = tpu.vector_load %arg7[%swap3A_137, %swap3A_138] {strides = array<i32>} : memref<256x128xf32, #tpu.memory_space<vmem>>, vector<1x16xf32>,
        %swap3A_140 = vector.shape_cast %swap3A_139 : vector<1x16xf32> to vector<16xf32>
        %swap3A_141 = vector.shape_cast %select_n3A_135 : vector<16xf32> to vector<1x16xf32>
        tpu.vector_store %arg7[%swap3A_137, %swap3A_138], %swap3A_141 {strides = array<i32>} : memref<256x128xf32, #tpu.memory_space<vmem>>, vector<1x16xf32>,
        %get3A_142 = arith.constant 255 : i32
        %get3A_143 = arith.index_cast %get3A_142 : i32 to index
        %get3A_144 = arith.constant 16 : index
        %get3A_145 = tpu.vector_load %arg6[%get3A_143, %get3A_144] {strides = array<i32>} : memref<256x128xf32, #tpu.memory_space<vmem>>, vector<1x16xf32>,
        %get3A_146 = vector.shape_cast %get3A_145 : vector<1x16xf32> to vector<16xf32>
        %lt3A_147 = arith.constant 0.000000e+00 : f32
        %lt3A_148 = vector.broadcast %lt3A_147 : f32 to vector<16xf32>
        %lt3A_149 = arith.cmpf olt, %get3A_146, %lt3A_148 : vector<16xf32>
        %get3A_150 = arith.constant 255 : i32
        %get3A_151 = arith.index_cast %get3A_150 : i32 to index
        %get3A_152 = arith.constant 16 : index
        %get3A_153 = tpu.vector_load %arg7[%get3A_151, %get3A_152] {strides = array<i32>} : memref<256x128xf32, #tpu.memory_space<vmem>>, vector<1x16xf32>,
        %get3A_154 = vector.shape_cast %get3A_153 : vector<1x16xf32> to vector<16xf32>
        %jit3A_155 = arith.constant 0.000000e+00 : f32
        %broadcast_in_dim3A_156 = vector.broadcast %jit3A_155 : f32 to vector<16xf32>
        %select_n3A_157 = arith.select %lt3A_149, %get3A_154, %broadcast_in_dim3A_156 : vector<16xi1>, vector<16xf32>
        %swap3A_158 = arith.constant 255 : i32
        %swap3A_159 = arith.index_cast %swap3A_158 : i32 to index
        %swap3A_160 = arith.constant 16 : index
        %swap3A_161 = tpu.vector_load %arg7[%swap3A_159, %swap3A_160] {strides = array<i32>} : memref<256x128xf32, #tpu.memory_space<vmem>>, vector<1x16xf32>,
        %swap3A_162 = vector.shape_cast %swap3A_161 : vector<1x16xf32> to vector<16xf32>
        %swap3A_163 = vector.shape_cast %select_n3A_157 : vector<16xf32> to vector<1x16xf32>
        tpu.vector_store %arg7[%swap3A_159, %swap3A_160], %swap3A_163 {strides = array<i32>} : memref<256x128xf32, #tpu.memory_space<vmem>>, vector<1x16xf32>,
        %get3A_164 = arith.constant 254 : i32
        %get3A_165 = arith.index_cast %get3A_164 : i32 to index
        %get3A_166 = arith.constant 16 : index
        %get3A_167 = tpu.vector_load %arg6[%get3A_165, %get3A_166] {strides = array<i32>} : memref<256x128xf32, #tpu.memory_space<vmem>>, vector<1x16xf32>,
        %get3A_168 = vector.shape_cast %get3A_167 : vector<1x16xf32> to vector<16xf32>
        %ge3A_169 = arith.constant 1.000000e+00 : f32
        %ge3A_170 = vector.broadcast %ge3A_169 : f32 to vector<16xf32>
        %ge3A_171 = arith.cmpf oge, %get3A_168, %ge3A_170 : vector<16xf32>
        %get3A_172 = arith.constant 254 : i32
        %get3A_173 = arith.index_cast %get3A_172 : i32 to index
        %get3A_174 = arith.constant 16 : index
        %get3A_175 = tpu.vector_load %arg7[%get3A_173, %get3A_174] {strides = array<i32>} : memref<256x128xf32, #tpu.memory_space<vmem>>, vector<1x16xf32>,
        %get3A_176 = vector.shape_cast %get3A_175 : vector<1x16xf32> to vector<16xf32>
        %jit3A_177 = arith.constant 0.000000e+00 : f32
        %broadcast_in_dim3A_178 = vector.broadcast %jit3A_177 : f32 to vector<16xf32>
        %select_n3A_179 = arith.select %ge3A_171, %broadcast_in_dim3A_178, %get3A_176 : vector<16xi1>, vector<16xf32>
        %swap3A_180 = arith.constant 254 : i32
        %swap3A_181 = arith.index_cast %swap3A_180 : i32 to index
        %swap3A_182 = arith.constant 16 : index
        %swap3A_183 = tpu.vector_load %arg7[%swap3A_181, %swap3A_182] {strides = array<i32>} : memref<256x128xf32, #tpu.memory_space<vmem>>, vector<1x16xf32>,
        %swap3A_184 = vector.shape_cast %swap3A_183 : vector<1x16xf32> to vector<16xf32>
        %swap3A_185 = vector.shape_cast %select_n3A_179 : vector<16xf32> to vector<1x16xf32>
        tpu.vector_store %arg7[%swap3A_181, %swap3A_182], %swap3A_185 {strides = array<i32>} : memref<256x128xf32, #tpu.memory_space<vmem>>, vector<1x16xf32>,
        %get3A_186 = arith.constant 255 : i32
        %get3A_187 = arith.index_cast %get3A_186 : i32 to index
        %get3A_188 = arith.constant 32 : index
        %get3A_189 = tpu.vector_load %arg6[%get3A_187, %get3A_188] {strides = array<i32>} : memref<256x128xf32, #tpu.memory_space<vmem>>, vector<1x16xf32>,
        %get3A_190 = vector.shape_cast %get3A_189 : vector<1x16xf32> to vector<16xf32>
        %lt3A_191 = arith.constant 0.000000e+00 : f32
        %lt3A_192 = vector.broadcast %lt3A_191 : f32 to vector<16xf32>
        %lt3A_193 = arith.cmpf olt, %get3A_190, %lt3A_192 : vector<16xf32>
        %get3A_194 = arith.constant 255 : i32
        %get3A_195 = arith.index_cast %get3A_194 : i32 to index
        %get3A_196 = arith.constant 32 : index
        %get3A_197 = tpu.vector_load %arg7[%get3A_195, %get3A_196] {strides = array<i32>} : memref<256x128xf32, #tpu.memory_space<vmem>>, vector<1x16xf32>,
        %get3A_198 = vector.shape_cast %get3A_197 : vector<1x16xf32> to vector<16xf32>
        %jit3A_199 = arith.constant 0.000000e+00 : f32
        %broadcast_in_dim3A_200 = vector.broadcast %jit3A_199 : f32 to vector<16xf32>
        %select_n3A_201 = arith.select %lt3A_193, %get3A_198, %broadcast_in_dim3A_200 : vector<16xi1>, vector<16xf32>
        %swap3A_202 = arith.constant 255 : i32
        %swap3A_203 = arith.index_cast %swap3A_202 : i32 to index
        %swap3A_204 = arith.constant 32 : index
        %swap3A_205 = tpu.vector_load %arg7[%swap3A_203, %swap3A_204] {strides = array<i32>} : memref<256x128xf32, #tpu.memory_space<vmem>>, vector<1x16xf32>,
        %swap3A_206 = vector.shape_cast %swap3A_205 : vector<1x16xf32> to vector<16xf32>
        %swap3A_207 = vector.shape_cast %select_n3A_201 : vector<16xf32> to vector<1x16xf32>
        tpu.vector_store %arg7[%swap3A_203, %swap3A_204], %swap3A_207 {strides = array<i32>} : memref<256x128xf32, #tpu.memory_space<vmem>>, vector<1x16xf32>,
        %get3A_208 = arith.constant 254 : i32
        %get3A_209 = arith.index_cast %get3A_208 : i32 to index
        %get3A_210 = arith.constant 32 : index
        %get3A_211 = tpu.vector_load %arg6[%get3A_209, %get3A_210] {strides = array<i32>} : memref<256x128xf32, #tpu.memory_space<vmem>>, vector<1x16xf32>,
        %get3A_212 = vector.shape_cast %get3A_211 : vector<1x16xf32> to vector<16xf32>
        %ge3A_213 = arith.constant 1.000000e+00 : f32
        %ge3A_214 = vector.broadcast %ge3A_213 : f32 to vector<16xf32>
        %ge3A_215 = arith.cmpf oge, %get3A_212, %ge3A_214 : vector<16xf32>
        %get3A_216 = arith.constant 254 : i32
        %get3A_217 = arith.index_cast %get3A_216 : i32 to index
        %get3A_218 = arith.constant 32 : index
        %get3A_219 = tpu.vector_load %arg7[%get3A_217, %get3A_218] {strides = array<i32>} : memref<256x128xf32, #tpu.memory_space<vmem>>, vector<1x16xf32>,
        %get3A_220 = vector.shape_cast %get3A_219 : vector<1x16xf32> to vector<16xf32>
        %jit3A_221 = arith.constant 0.000000e+00 : f32
        %broadcast_in_dim3A_222 = vector.broadcast %jit3A_221 : f32 to vector<16xf32>
        %select_n3A_223 = arith.select %ge3A_215, %broadcast_in_dim3A_222, %get3A_220 : vector<16xi1>, vector<16xf32>
        %swap3A_224 = arith.constant 254 : i32
        %swap3A_225 = arith.index_cast %swap3A_224 : i32 to index
        %swap3A_226 = arith.constant 32 : index
        %swap3A_227 = tpu.vector_load %arg7[%swap3A_225, %swap3A_226] {strides = array<i32>} : memref<256x128xf32, #tpu.memory_space<vmem>>, vector<1x16xf32>,
        %swap3A_228 = vector.shape_cast %swap3A_227 : vector<1x16xf32> to vector<16xf32>
        %swap3A_229 = vector.shape_cast %select_n3A_223 : vector<16xf32> to vector<1x16xf32>
        tpu.vector_store %arg7[%swap3A_225, %swap3A_226], %swap3A_229 {strides = array<i32>} : memref<256x128xf32, #tpu.memory_space<vmem>>, vector<1x16xf32>,
        %get3A_230 = arith.constant 255 : i32
        %get3A_231 = arith.index_cast %get3A_230 : i32 to index
        %get3A_232 = arith.constant 48 : index
        %get3A_233 = tpu.vector_load %arg6[%get3A_231, %get3A_232] {strides = array<i32>} : memref<256x128xf32, #tpu.memory_space<vmem>>, vector<1x16xf32>,
        %get3A_234 = vector.shape_cast %get3A_233 : vector<1x16xf32> to vector<16xf32>
        %lt3A_235 = arith.constant 0.000000e+00 : f32
        %lt3A_236 = vector.broadcast %lt3A_235 : f32 to vector<16xf32>
        %lt3A_237 = arith.cmpf olt, %get3A_234, %lt3A_236 : vector<16xf32>
        %get3A_238 = arith.constant 255 : i32
        %get3A_239 = arith.index_cast %get3A_238 : i32 to index
        %get3A_240 = arith.constant 48 : index
        %get3A_241 = tpu.vector_load %arg7[%get3A_239, %get3A_240] {strides = array<i32>} : memref<256x128xf32, #tpu.memory_space<vmem>>, vector<1x16xf32>,
        %get3A_242 = vector.shape_cast %get3A_241 : vector<1x16xf32> to vector<16xf32>
        %jit3A_243 = arith.constant 0.000000e+00 : f32
        %broadcast_in_dim3A_244 = vector.broadcast %jit3A_243 : f32 to vector<16xf32>
        %select_n3A_245 = arith.select %lt3A_237, %get3A_242, %broadcast_in_dim3A_244 : vector<16xi1>, vector<16xf32>
        %swap3A_246 = arith.constant 255 : i32
        %swap3A_247 = arith.index_cast %swap3A_246 : i32 to index
        %swap3A_248 = arith.constant 48 : index
        %swap3A_249 = tpu.vector_load %arg7[%swap3A_247, %swap3A_248] {strides = array<i32>} : memref<256x128xf32, #tpu.memory_space<vmem>>, vector<1x16xf32>,
        %swap3A_250 = vector.shape_cast %swap3A_249 : vector<1x16xf32> to vector<16xf32>
        %swap3A_251 = vector.shape_cast %select_n3A_245 : vector<16xf32> to vector<1x16xf32>
        tpu.vector_store %arg7[%swap3A_247, %swap3A_248], %swap3A_251 {strides = array<i32>} : memref<256x128xf32, #tpu.memory_space<vmem>>, vector<1x16xf32>,
        %get3A_252 = arith.constant 254 : i32
        %get3A_253 = arith.index_cast %get3A_252 : i32 to index
        %get3A_254 = arith.constant 48 : index
        %get3A_255 = tpu.vector_load %arg6[%get3A_253, %get3A_254] {strides = array<i32>} : memref<256x128xf32, #tpu.memory_space<vmem>>, vector<1x16xf32>,
        %get3A_256 = vector.shape_cast %get3A_255 : vector<1x16xf32> to vector<16xf32>
        %ge3A_257 = arith.constant 1.000000e+00 : f32
        %ge3A_258 = vector.broadcast %ge3A_257 : f32 to vector<16xf32>
        %ge3A_259 = arith.cmpf oge, %get3A_256, %ge3A_258 : vector<16xf32>
        %get3A_260 = arith.constant 254 : i32
        %get3A_261 = arith.index_cast %get3A_260 : i32 to index
        %get3A_262 = arith.constant 48 : index
        %get3A_263 = tpu.vector_load %arg7[%get3A_261, %get3A_262] {strides = array<i32>} : memref<256x128xf32, #tpu.memory_space<vmem>>, vector<1x16xf32>,
        %get3A_264 = vector.shape_cast %get3A_263 : vector<1x16xf32> to vector<16xf32>
        %jit3A_265 = arith.constant 0.000000e+00 : f32
        %broadcast_in_dim3A_266 = vector.broadcast %jit3A_265 : f32 to vector<16xf32>
        %select_n3A_267 = arith.select %ge3A_259, %broadcast_in_dim3A_266, %get3A_264 : vector<16xi1>, vector<16xf32>
        %swap3A_268 = arith.constant 254 : i32
        %swap3A_269 = arith.index_cast %swap3A_268 : i32 to index
        %swap3A_270 = arith.constant 48 : index
        %swap3A_271 = tpu.vector_load %arg7[%swap3A_269, %swap3A_270] {strides = array<i32>} : memref<256x128xf32, #tpu.memory_space<vmem>>, vector<1x16xf32>,
        %swap3A_272 = vector.shape_cast %swap3A_271 : vector<1x16xf32> to vector<16xf32>
        %swap3A_273 = vector.shape_cast %select_n3A_267 : vector<16xf32> to vector<1x16xf32>
        tpu.vector_store %arg7[%swap3A_269, %swap3A_270], %swap3A_273 {strides = array<i32>} : memref<256x128xf32, #tpu.memory_space<vmem>>, vector<1x16xf32>,
        %get3A_274 = arith.constant 255 : i32
        %get3A_275 = arith.index_cast %get3A_274 : i32 to index
        %get3A_276 = arith.constant 64 : index
        %get3A_277 = tpu.vector_load %arg6[%get3A_275, %get3A_276] {strides = array<i32>} : memref<256x128xf32, #tpu.memory_space<vmem>>, vector<1x16xf32>,
        %get3A_278 = vector.shape_cast %get3A_277 : vector<1x16xf32> to vector<16xf32>
        %lt3A_279 = arith.constant 0.000000e+00 : f32
        %lt3A_280 = vector.broadcast %lt3A_279 : f32 to vector<16xf32>
        %lt3A_281 = arith.cmpf olt, %get3A_278, %lt3A_280 : vector<16xf32>
        %get3A_282 = arith.constant 255 : i32
        %get3A_283 = arith.index_cast %get3A_282 : i32 to index
        %get3A_284 = arith.constant 64 : index
        %get3A_285 = tpu.vector_load %arg7[%get3A_283, %get3A_284] {strides = array<i32>} : memref<256x128xf32, #tpu.memory_space<vmem>>, vector<1x16xf32>,
        %get3A_286 = vector.shape_cast %get3A_285 : vector<1x16xf32> to vector<16xf32>
        %jit3A_287 = arith.constant 0.000000e+00 : f32
        %broadcast_in_dim3A_288 = vector.broadcast %jit3A_287 : f32 to vector<16xf32>
        %select_n3A_289 = arith.select %lt3A_281, %get3A_286, %broadcast_in_dim3A_288 : vector<16xi1>, vector<16xf32>
        %swap3A_290 = arith.constant 255 : i32
        %swap3A_291 = arith.index_cast %swap3A_290 : i32 to index
        %swap3A_292 = arith.constant 64 : index
        %swap3A_293 = tpu.vector_load %arg7[%swap3A_291, %swap3A_292] {strides = array<i32>} : memref<256x128xf32, #tpu.memory_space<vmem>>, vector<1x16xf32>,
        %swap3A_294 = vector.shape_cast %swap3A_293 : vector<1x16xf32> to vector<16xf32>
        %swap3A_295 = vector.shape_cast %select_n3A_289 : vector<16xf32> to vector<1x16xf32>
        tpu.vector_store %arg7[%swap3A_291, %swap3A_292], %swap3A_295 {strides = array<i32>} : memref<256x128xf32, #tpu.memory_space<vmem>>, vector<1x16xf32>,
        %get3A_296 = arith.constant 254 : i32
        %get3A_297 = arith.index_cast %get3A_296 : i32 to index
        %get3A_298 = arith.constant 64 : index
        %get3A_299 = tpu.vector_load %arg6[%get3A_297, %get3A_298] {strides = array<i32>} : memref<256x128xf32, #tpu.memory_space<vmem>>, vector<1x16xf32>,
        %get3A_300 = vector.shape_cast %get3A_299 : vector<1x16xf32> to vector<16xf32>
        %ge3A_301 = arith.constant 1.000000e+00 : f32
        %ge3A_302 = vector.broadcast %ge3A_301 : f32 to vector<16xf32>
        %ge3A_303 = arith.cmpf oge, %get3A_300, %ge3A_302 : vector<16xf32>
        %get3A_304 = arith.constant 254 : i32
        %get3A_305 = arith.index_cast %get3A_304 : i32 to index
        %get3A_306 = arith.constant 64 : index
        %get3A_307 = tpu.vector_load %arg7[%get3A_305, %get3A_306] {strides = array<i32>} : memref<256x128xf32, #tpu.memory_space<vmem>>, vector<1x16xf32>,
        %get3A_308 = vector.shape_cast %get3A_307 : vector<1x16xf32> to vector<16xf32>
        %jit3A_309 = arith.constant 0.000000e+00 : f32
        %broadcast_in_dim3A_310 = vector.broadcast %jit3A_309 : f32 to vector<16xf32>
        %select_n3A_311 = arith.select %ge3A_303, %broadcast_in_dim3A_310, %get3A_308 : vector<16xi1>, vector<16xf32>
        %swap3A_312 = arith.constant 254 : i32
        %swap3A_313 = arith.index_cast %swap3A_312 : i32 to index
        %swap3A_314 = arith.constant 64 : index
        %swap3A_315 = tpu.vector_load %arg7[%swap3A_313, %swap3A_314] {strides = array<i32>} : memref<256x128xf32, #tpu.memory_space<vmem>>, vector<1x16xf32>,
        %swap3A_316 = vector.shape_cast %swap3A_315 : vector<1x16xf32> to vector<16xf32>
        %swap3A_317 = vector.shape_cast %select_n3A_311 : vector<16xf32> to vector<1x16xf32>
        tpu.vector_store %arg7[%swap3A_313, %swap3A_314], %swap3A_317 {strides = array<i32>} : memref<256x128xf32, #tpu.memory_space<vmem>>, vector<1x16xf32>,
        %get3A_318 = arith.constant 255 : i32
        %get3A_319 = arith.index_cast %get3A_318 : i32 to index
        %get3A_320 = arith.constant 80 : index
        %get3A_321 = tpu.vector_load %arg6[%get3A_319, %get3A_320] {strides = array<i32>} : memref<256x128xf32, #tpu.memory_space<vmem>>, vector<1x16xf32>,
        %get3A_322 = vector.shape_cast %get3A_321 : vector<1x16xf32> to vector<16xf32>
        %lt3A_323 = arith.constant 0.000000e+00 : f32
        %lt3A_324 = vector.broadcast %lt3A_323 : f32 to vector<16xf32>
        %lt3A_325 = arith.cmpf olt, %get3A_322, %lt3A_324 : vector<16xf32>
        %get3A_326 = arith.constant 255 : i32
        %get3A_327 = arith.index_cast %get3A_326 : i32 to index
        %get3A_328 = arith.constant 80 : index
        %get3A_329 = tpu.vector_load %arg7[%get3A_327, %get3A_328] {strides = array<i32>} : memref<256x128xf32, #tpu.memory_space<vmem>>, vector<1x16xf32>,
        %get3A_330 = vector.shape_cast %get3A_329 : vector<1x16xf32> to vector<16xf32>
        %jit3A_331 = arith.constant 0.000000e+00 : f32
        %broadcast_in_dim3A_332 = vector.broadcast %jit3A_331 : f32 to vector<16xf32>
        %select_n3A_333 = arith.select %lt3A_325, %get3A_330, %broadcast_in_dim3A_332 : vector<16xi1>, vector<16xf32>
        %swap3A_334 = arith.constant 255 : i32
        %swap3A_335 = arith.index_cast %swap3A_334 : i32 to index
        %swap3A_336 = arith.constant 80 : index
        %swap3A_337 = tpu.vector_load %arg7[%swap3A_335, %swap3A_336] {strides = array<i32>} : memref<256x128xf32, #tpu.memory_space<vmem>>, vector<1x16xf32>,
        %swap3A_338 = vector.shape_cast %swap3A_337 : vector<1x16xf32> to vector<16xf32>
        %swap3A_339 = vector.shape_cast %select_n3A_333 : vector<16xf32> to vector<1x16xf32>
        tpu.vector_store %arg7[%swap3A_335, %swap3A_336], %swap3A_339 {strides = array<i32>} : memref<256x128xf32, #tpu.memory_space<vmem>>, vector<1x16xf32>,
        %get3A_340 = arith.constant 254 : i32
        %get3A_341 = arith.index_cast %get3A_340 : i32 to index
        %get3A_342 = arith.constant 80 : index
        %get3A_343 = tpu.vector_load %arg6[%get3A_341, %get3A_342] {strides = array<i32>} : memref<256x128xf32, #tpu.memory_space<vmem>>, vector<1x16xf32>,
        %get3A_344 = vector.shape_cast %get3A_343 : vector<1x16xf32> to vector<16xf32>
        %ge3A_345 = arith.constant 1.000000e+00 : f32
        %ge3A_346 = vector.broadcast %ge3A_345 : f32 to vector<16xf32>
        %ge3A_347 = arith.cmpf oge, %get3A_344, %ge3A_346 : vector<16xf32>
        %get3A_348 = arith.constant 254 : i32
        %get3A_349 = arith.index_cast %get3A_348 : i32 to index
        %get3A_350 = arith.constant 80 : index
        %get3A_351 = tpu.vector_load %arg7[%get3A_349, %get3A_350] {strides = array<i32>} : memref<256x128xf32, #tpu.memory_space<vmem>>, vector<1x16xf32>,
        %get3A_352 = vector.shape_cast %get3A_351 : vector<1x16xf32> to vector<16xf32>
        %jit3A_353 = arith.constant 0.000000e+00 : f32
        %broadcast_in_dim3A_354 = vector.broadcast %jit3A_353 : f32 to vector<16xf32>
        %select_n3A_355 = arith.select %ge3A_347, %broadcast_in_dim3A_354, %get3A_352 : vector<16xi1>, vector<16xf32>
        %swap3A_356 = arith.constant 254 : i32
        %swap3A_357 = arith.index_cast %swap3A_356 : i32 to index
        %swap3A_358 = arith.constant 80 : index
        %swap3A_359 = tpu.vector_load %arg7[%swap3A_357, %swap3A_358] {strides = array<i32>} : memref<256x128xf32, #tpu.memory_space<vmem>>, vector<1x16xf32>,
        %swap3A_360 = vector.shape_cast %swap3A_359 : vector<1x16xf32> to vector<16xf32>
        %swap3A_361 = vector.shape_cast %select_n3A_355 : vector<16xf32> to vector<1x16xf32>
        tpu.vector_store %arg7[%swap3A_357, %swap3A_358], %swap3A_361 {strides = array<i32>} : memref<256x128xf32, #tpu.memory_space<vmem>>, vector<1x16xf32>,
        %get3A_362 = arith.constant 255 : i32
        %get3A_363 = arith.index_cast %get3A_362 : i32 to index
        %get3A_364 = arith.constant 96 : index
        %get3A_365 = tpu.vector_load %arg6[%get3A_363, %get3A_364] {strides = array<i32>} : memref<256x128xf32, #tpu.memory_space<vmem>>, vector<1x16xf32>,
        %get3A_366 = vector.shape_cast %get3A_365 : vector<1x16xf32> to vector<16xf32>
        %lt3A_367 = arith.constant 0.000000e+00 : f32
        %lt3A_368 = vector.broadcast %lt3A_367 : f32 to vector<16xf32>
        %lt3A_369 = arith.cmpf olt, %get3A_366, %lt3A_368 : vector<16xf32>
        %get3A_370 = arith.constant 255 : i32
        %get3A_371 = arith.index_cast %get3A_370 : i32 to index
        %get3A_372 = arith.constant 96 : index
        %get3A_373 = tpu.vector_load %arg7[%get3A_371, %get3A_372] {strides = array<i32>} : memref<256x128xf32, #tpu.memory_space<vmem>>, vector<1x16xf32>,
        %get3A_374 = vector.shape_cast %get3A_373 : vector<1x16xf32> to vector<16xf32>
        %jit3A_375 = arith.constant 0.000000e+00 : f32
        %broadcast_in_dim3A_376 = vector.broadcast %jit3A_375 : f32 to vector<16xf32>
        %select_n3A_377 = arith.select %lt3A_369, %get3A_374, %broadcast_in_dim3A_376 : vector<16xi1>, vector<16xf32>
        %swap3A_378 = arith.constant 255 : i32
        %swap3A_379 = arith.index_cast %swap3A_378 : i32 to index
        %swap3A_380 = arith.constant 96 : index
        %swap3A_381 = tpu.vector_load %arg7[%swap3A_379, %swap3A_380] {strides = array<i32>} : memref<256x128xf32, #tpu.memory_space<vmem>>, vector<1x16xf32>,
        %swap3A_382 = vector.shape_cast %swap3A_381 : vector<1x16xf32> to vector<16xf32>
        %swap3A_383 = vector.shape_cast %select_n3A_377 : vector<16xf32> to vector<1x16xf32>
        tpu.vector_store %arg7[%swap3A_379, %swap3A_380], %swap3A_383 {strides = array<i32>} : memref<256x128xf32, #tpu.memory_space<vmem>>, vector<1x16xf32>,
        %get3A_384 = arith.constant 254 : i32
        %get3A_385 = arith.index_cast %get3A_384 : i32 to index
        %get3A_386 = arith.constant 96 : index
        %get3A_387 = tpu.vector_load %arg6[%get3A_385, %get3A_386] {strides = array<i32>} : memref<256x128xf32, #tpu.memory_space<vmem>>, vector<1x16xf32>,
        %get3A_388 = vector.shape_cast %get3A_387 : vector<1x16xf32> to vector<16xf32>
        %ge3A_389 = arith.constant 1.000000e+00 : f32
        %ge3A_390 = vector.broadcast %ge3A_389 : f32 to vector<16xf32>
        %ge3A_391 = arith.cmpf oge, %get3A_388, %ge3A_390 : vector<16xf32>
        %get3A_392 = arith.constant 254 : i32
        %get3A_393 = arith.index_cast %get3A_392 : i32 to index
        %get3A_394 = arith.constant 96 : index
        %get3A_395 = tpu.vector_load %arg7[%get3A_393, %get3A_394] {strides = array<i32>} : memref<256x128xf32, #tpu.memory_space<vmem>>, vector<1x16xf32>,
        %get3A_396 = vector.shape_cast %get3A_395 : vector<1x16xf32> to vector<16xf32>
        %jit3A_397 = arith.constant 0.000000e+00 : f32
        %broadcast_in_dim3A_398 = vector.broadcast %jit3A_397 : f32 to vector<16xf32>
        %select_n3A_399 = arith.select %ge3A_391, %broadcast_in_dim3A_398, %get3A_396 : vector<16xi1>, vector<16xf32>
        %swap3A_400 = arith.constant 254 : i32
        %swap3A_401 = arith.index_cast %swap3A_400 : i32 to index
        %swap3A_402 = arith.constant 96 : index
        %swap3A_403 = tpu.vector_load %arg7[%swap3A_401, %swap3A_402] {strides = array<i32>} : memref<256x128xf32, #tpu.memory_space<vmem>>, vector<1x16xf32>,
        %swap3A_404 = vector.shape_cast %swap3A_403 : vector<1x16xf32> to vector<16xf32>
        %swap3A_405 = vector.shape_cast %select_n3A_399 : vector<16xf32> to vector<1x16xf32>
        tpu.vector_store %arg7[%swap3A_401, %swap3A_402], %swap3A_405 {strides = array<i32>} : memref<256x128xf32, #tpu.memory_space<vmem>>, vector<1x16xf32>,
        %get3A_406 = arith.constant 255 : i32
        %get3A_407 = arith.index_cast %get3A_406 : i32 to index
        %get3A_408 = arith.constant 112 : index
        %get3A_409 = tpu.vector_load %arg6[%get3A_407, %get3A_408] {strides = array<i32>} : memref<256x128xf32, #tpu.memory_space<vmem>>, vector<1x16xf32>,
        %get3A_410 = vector.shape_cast %get3A_409 : vector<1x16xf32> to vector<16xf32>
        %lt3A_411 = arith.constant 0.000000e+00 : f32
        %lt3A_412 = vector.broadcast %lt3A_411 : f32 to vector<16xf32>
        %lt3A_413 = arith.cmpf olt, %get3A_410, %lt3A_412 : vector<16xf32>
        %get3A_414 = arith.constant 255 : i32
        %get3A_415 = arith.index_cast %get3A_414 : i32 to index
        %get3A_416 = arith.constant 112 : index
        %get3A_417 = tpu.vector_load %arg7[%get3A_415, %get3A_416] {strides = array<i32>} : memref<256x128xf32, #tpu.memory_space<vmem>>, vector<1x16xf32>,
        %get3A_418 = vector.shape_cast %get3A_417 : vector<1x16xf32> to vector<16xf32>
        %jit3A_419 = arith.constant 0.000000e+00 : f32
        %broadcast_in_dim3A_420 = vector.broadcast %jit3A_419 : f32 to vector<16xf32>
        %select_n3A_421 = arith.select %lt3A_413, %get3A_418, %broadcast_in_dim3A_420 : vector<16xi1>, vector<16xf32>
        %swap3A_422 = arith.constant 255 : i32
        %swap3A_423 = arith.index_cast %swap3A_422 : i32 to index
        %swap3A_424 = arith.constant 112 : index
        %swap3A_425 = tpu.vector_load %arg7[%swap3A_423, %swap3A_424] {strides = array<i32>} : memref<256x128xf32, #tpu.memory_space<vmem>>, vector<1x16xf32>,
        %swap3A_426 = vector.shape_cast %swap3A_425 : vector<1x16xf32> to vector<16xf32>
        %swap3A_427 = vector.shape_cast %select_n3A_421 : vector<16xf32> to vector<1x16xf32>
        tpu.vector_store %arg7[%swap3A_423, %swap3A_424], %swap3A_427 {strides = array<i32>} : memref<256x128xf32, #tpu.memory_space<vmem>>, vector<1x16xf32>,
        %get3A_428 = arith.constant 254 : i32
        %get3A_429 = arith.index_cast %get3A_428 : i32 to index
        %get3A_430 = arith.constant 112 : index
        %get3A_431 = tpu.vector_load %arg6[%get3A_429, %get3A_430] {strides = array<i32>} : memref<256x128xf32, #tpu.memory_space<vmem>>, vector<1x16xf32>,
        %get3A_432 = vector.shape_cast %get3A_431 : vector<1x16xf32> to vector<16xf32>
        %ge3A_433 = arith.constant 1.000000e+00 : f32
        %ge3A_434 = vector.broadcast %ge3A_433 : f32 to vector<16xf32>
        %ge3A_435 = arith.cmpf oge, %get3A_432, %ge3A_434 : vector<16xf32>
        %get3A_436 = arith.constant 254 : i32
        %get3A_437 = arith.index_cast %get3A_436 : i32 to index
        %get3A_438 = arith.constant 112 : index
        %get3A_439 = tpu.vector_load %arg7[%get3A_437, %get3A_438] {strides = array<i32>} : memref<256x128xf32, #tpu.memory_space<vmem>>, vector<1x16xf32>,
        %get3A_440 = vector.shape_cast %get3A_439 : vector<1x16xf32> to vector<16xf32>
        %jit3A_441 = arith.constant 0.000000e+00 : f32
        %broadcast_in_dim3A_442 = vector.broadcast %jit3A_441 : f32 to vector<16xf32>
        %select_n3A_443 = arith.select %ge3A_435, %broadcast_in_dim3A_442, %get3A_440 : vector<16xi1>, vector<16xf32>
        %swap3A_444 = arith.constant 254 : i32
        %swap3A_445 = arith.index_cast %swap3A_444 : i32 to index
        %swap3A_446 = arith.constant 112 : index
        %swap3A_447 = tpu.vector_load %arg7[%swap3A_445, %swap3A_446] {strides = array<i32>} : memref<256x128xf32, #tpu.memory_space<vmem>>, vector<1x16xf32>,
        %swap3A_448 = vector.shape_cast %swap3A_447 : vector<1x16xf32> to vector<16xf32>
        %swap3A_449 = vector.shape_cast %select_n3A_443 : vector<16xf32> to vector<1x16xf32>
        tpu.vector_store %arg7[%swap3A_445, %swap3A_446], %swap3A_449 {strides = array<i32>} : memref<256x128xf32, #tpu.memory_space<vmem>>, vector<1x16xf32>,
      } else {
      }
      "tpu.region"() ({
        %run_scoped3A = tpu.sem_alloc : memref<!tpu.dma_semaphore, #tpu.memory_space<semaphore_mem>>
        %dma_start3A = tpu.memref_slice %arg4[%select_n3A_79, %mul3A_81, %mul3A_83] : memref<4x2048x768xf32, #tpu.memory_space<hbm>> -> memref<1x256x128xf32, #tpu.memory_space<hbm>>
        %dma_start3A_102 = tpu.memref_squeeze %dma_start3A : memref<1x256x128xf32, #tpu.memory_space<hbm>> -> memref<256x128xf32, #tpu.memory_space<hbm>>
        %dma_start3A_103 = tpu.memref_slice %arg4[%select_n3A_79, %mul3A_81, %mul3A_83] : memref<4x2048x768xf32, #tpu.memory_space<hbm>> -> memref<1x256x128xf32, #tpu.memory_space<hbm>>
        %dma_start3A_104 = tpu.memref_squeeze %dma_start3A_103 : memref<1x256x128xf32, #tpu.memory_space<hbm>> -> memref<256x128xf32, #tpu.memory_space<hbm>>
        tpu.enqueue_dma source(%arg7 : memref<256x128xf32, #tpu.memory_space<vmem>>) target(%dma_start3A_104 : memref<256x128xf32, #tpu.memory_space<hbm>>) target_semaphore(%run_scoped3A : memref<!tpu.dma_semaphore, #tpu.memory_space<semaphore_mem>>)
        %dma_wait3A = tpu.memref_slice %arg4[%select_n3A_79, %mul3A_81, %mul3A_83] : memref<4x2048x768xf32, #tpu.memory_space<hbm>> -> memref<1x256x128xf32, #tpu.memory_space<hbm>>
        %dma_wait3A_105 = tpu.memref_squeeze %dma_wait3A : memref<1x256x128xf32, #tpu.memory_space<hbm>> -> memref<256x128xf32, #tpu.memory_space<hbm>>
        %dma_wait3A_106 = tpu.memref_slice %arg4[%select_n3A_79, %mul3A_81, %mul3A_83] : memref<4x2048x768xf32, #tpu.memory_space<hbm>> -> memref<1x256x128xf32, #tpu.memory_space<hbm>>
        %dma_wait3A_107 = tpu.memref_squeeze %dma_wait3A_106 : memref<1x256x128xf32, #tpu.memory_space<hbm>> -> memref<256x128xf32, #tpu.memory_space<hbm>>
        tpu.wait_dma2 semaphore(%run_scoped3A : memref<!tpu.dma_semaphore, #tpu.memory_space<semaphore_mem>>) src(%arg7 : memref<256x128xf32, #tpu.memory_space<vmem>>) dst(%dma_wait3A_107 : memref<256x128xf32, #tpu.memory_space<hbm>>)
        tpu.yield
      }) : () -> ()
    }
    %scan3A_5 = arith.constant 6 : i32
    return
  }
}

</mosaic_0001>

<sc_bundles>
// kernel: kernel.3.cloned.1.call-start
scs
__scs_entry_jumppad:
0x0: {  	(pc) =	sbr.rel $0x88, $3  }
0x1: {  	(tag) =	ssettag $0x0;
	lr =	simm.s32 $0x1  }
0x2: {  	[smem:$0x3F9E] =	sst lr;
	_ =	strace $0xD0000000  }
0x3: {  	_ = 	snop  }
0x4: {  	_ = 	snop  }
0x5: {  	_ = 	snop  }
0x6: {  	_ = 	snop  }
0x7: {  	_ = 	snop  }
__scs_overlays_trampoline_lowered:
0x8: {  	[smem:$0x3FAD] =	sst s0  }
0x9: {  	[smem:$0x3FAE] =	sst s1  }
0xa: {  	[smem:$0x3FAF] =	sst s2  }
0xb: {  	[smem:$0x3FB0] =	sst s3  }
0xc: {  	[smem:$0x3FB1] =	sst s4  }
0xd: {  	[smem:$0x3FB2] =	sst s5  }
0xe: {  	[smem:$0x3FB3] =	sst s6  }
0xf: {  	[smem:$0x3FB4] =	sst s7  }
0x10: {  	[smem:$0x3FB5] =	sst s8  }
0x11: {  	[smem:$0x3FB6] =	sst s9;
	s0 =	simm.s32 @!p0 $0x0  }
0x12: {  	s1 =	sld [smem:$0x3F9C];
	s0 =	simm.s32 @p0 $0x1  }
0x13: {  	[smem:$0x3FB7] =	sst s0;
	s0 =	simm.s32 @!p1 $0x0  }
0x14: {  	s2 =	sld [smem:$0x3F9B];
	s0 =	simm.s32 @p1 $0x1  }
0x15: {  	[smem:$0x3FB8] =	sst s0;
	s0 =	simm.s32 @!p2 $0x0  }
0x16: {  	s3 =	sld [smem:$0x3FDB];
	s0 =	simm.s32 @p2 $0x1  }
0x17: {  	s4 =	simm.s32 $0x1BF5;
	[smem:$0x3FBA] =	sst s0  }
0x18: {  	s0 =	sld [smem:$0x3F9D];
	_ =	swait.ge [sflag:s4], $0x0  }
0x19: {  	s7 =	sld [smem:$0x3F9E]  }
0x1a: {  	s8 =	sadd.s32 $0xFFFFE003, lr  }
0x1b: {  	s9 =	sadd.s32 $0xFFFFFEF7, lr;
	s5 =	simm.s32 $0xFFFFFFFF;
	p2 =	slt.u32 s8, $0xFFFFF086  }
0x1c: {  	p1 =	slt.u32 s9, $0xF7A;
	s5 =	simm.s32 @!p2 $0x0  }
0x1d: {  	s5 =	simm.s32 @p1 $0x1;
	p0 =	seq.s32 s7, s2  }
0x1e: {  	s7 =	smul.u32 @!p0 $0xF7A, s2;
	p2 =	seq.s32 @!p0 s5, $0x0  }
0x1f: {  	s9 =	smul.u32 $0xF7A, s1;
	s8 =	simm.s32 @!p0 $0x1BF5;
	p2 =	por !p2, p0  }
0x20: {  	[sflag:s8] =	ssyncset.s32 @!p0 $0xFFFFF086;
	s6 =	sadd.s32 @!p0 s3, s7;
	s7 =	simm.s32 @!p0 $0x108  }
0x21: {  	s3 =	sadd.s32 s3, s9;
	s6 =	sadd.s32 @!p0 $0x88, s6;
	s7 =	simm.s32 @p2 $0x1082  }
0x22: {  	[simem:s7], [sflag:s8] =	dma.local @!p0 [hbm:s6], $0xF7A  }
0x23: {  	s9 =	sor.u32 $0xD0000000, s2;
	s6 =	simm.s32 $0x108;
	_ =	swait.ge @!p0 [sflag:s8], $0x0  }
0x24: {  	s3 =	sadd.s32 $0x88, s3;
	s6 =	simm.s32 @!p1 $0x1082;
	[sflag:s4] =	ssyncset.s32 $0xFFFFF086  }
0x25: {  	[simem:s6], [sflag:s4] =	dma.local [hbm:s3], $0xF7A  }
0x26: {  	[smem:$0x3F9E] =	sst s1;
	(tag) =	ssettag s2;
	_ =	strace s9  }
0x27: {  	s1 =	sld [smem:$0x3FAE]  }
0x28: {  	s2 =	sld [smem:$0x3FAF]  }
0x29: {  	s4 =	sld [smem:$0x3FB1]  }
0x2a: {  	p0 =	seq.s32 s5, $0x0;
	s5 =	sld [smem:$0x3FB2]  }
0x2b: {  	s6 =	sld [smem:$0x3FB3]  }
0x2c: {  	s7 =	sld [smem:$0x3FB4]  }
0x2d: {  	s3 =	simm.s32 $0x108;
	s8 =	sld [smem:$0x3FB5]  }
0x2e: {  	s3 =	simm.s32 @!p0 $0x1082;
	s9 =	sld [smem:$0x3FB6]  }
0x2f: {  	lr =	sadd.s32 s0, s3;
	s0 =	sld [smem:$0x3FAD]  }
0x30: {  	s3 =	sld [smem:$0x3FB0]  }
0x31: {  	[smem:$0x3FB9] =	sst s10  }
0x32: {  	s10 =	sld [smem:$0x3FB7];
	_ =	sdelay $0x3  }
0x33: {  	p0 =	seq.s32 s10, $0x1;
	s10 =	sld [smem:$0x3FB9];
	_ =	sdelay $0x3  }
0x34: {  	[smem:$0x3FB9] =	sst s10  }
0x35: {  	s10 =	sld [smem:$0x3FB8];
	_ =	sdelay $0x3  }
0x36: {  	p1 =	seq.s32 s10, $0x1;
	s10 =	sld [smem:$0x3FB9];
	_ =	sdelay $0x3  }
0x37: {  	[smem:$0x3FB9] =	sst s10  }
0x38: {  	s10 =	sld [smem:$0x3FBA]  }
0x39: {  	_ = 	snop;
	(pc) =	sbr.ind lr, $3  }
0x3a: {  	_ = 	snop  }
0x3b: {  	_ = 	snop  }
0x3c: {  	p2 =	seq.s32 s10, $0x1;
	s10 =	sld [smem:$0x3FB9]  }
0x3d: {  	_ =	shalt  }
0x3e: {  	_ =	shalt  }
0x3f: {  	_ =	shalt  }
0x40: {  	_ =	shalt  }
0x41: {  	_ =	shalt  }
0x42: {  	_ =	shalt  }
0x43: {  	_ =	shalt  }
0x44: {  	_ =	shalt  }
0x45: {  	_ =	shalt  }
0x46: {  	_ =	shalt  }
0x47: {  	_ =	shalt  }
0x48: {  	_ =	shalt  }
0x49: {  	_ =	shalt  }
0x4a: {  	_ =	shalt  }
0x4b: {  	_ =	shalt  }
0x4c: {  	_ =	shalt  }
0x4d: {  	_ =	shalt  }
0x4e: {  	_ =	shalt  }
0x4f: {  	_ =	shalt  }
0x50: {  	_ =	shalt  }
0x51: {  	_ =	shalt  }
0x52: {  	_ =	shalt  }
0x53: {  	_ =	shalt  }
0x54: {  	_ =	shalt  }
0x55: {  	_ =	shalt  }
0x56: {  	_ =	shalt  }
0x57: {  	_ =	shalt  }
0x58: {  	_ =	shalt  }
0x59: {  	_ =	shalt  }
0x5a: {  	_ =	shalt  }
0x5b: {  	_ =	shalt  }
0x5c: {  	_ =	shalt  }
0x5d: {  	_ =	shalt  }
0x5e: {  	_ =	shalt  }
0x5f: {  	_ =	shalt  }
0x60: {  	_ =	shalt  }
0x61: {  	_ =	shalt  }
0x62: {  	_ =	shalt  }
0x63: {  	_ =	shalt  }
0x64: {  	_ =	shalt  }
0x65: {  	_ =	shalt  }
0x66: {  	_ =	shalt  }
0x67: {  	_ =	shalt  }
0x68: {  	_ =	shalt  }
0x69: {  	_ =	shalt  }
0x6a: {  	_ =	shalt  }
0x6b: {  	_ =	shalt  }
0x6c: {  	_ =	shalt  }
0x6d: {  	_ =	shalt  }
0x6e: {  	_ =	shalt  }
0x6f: {  	_ =	shalt  }
0x70: {  	_ =	shalt  }
0x71: {  	_ =	shalt  }
0x72: {  	_ =	shalt  }
0x73: {  	_ =	shalt  }
0x74: {  	_ =	shalt  }
0x75: {  	_ =	shalt  }
0x76: {  	_ =	shalt  }
0x77: {  	_ =	shalt  }
0x78: {  	_ =	shalt  }
0x79: {  	_ =	shalt  }
0x7a: {  	_ =	shalt  }
0x7b: {  	_ =	shalt  }
0x7c: {  	_ =	shalt  }
0x7d: {  	_ =	shalt  }
0x7e: {  	_ =	shalt  }
0x7f: {  	_ =	shalt  }
0x80: {  	_ =	shalt  }
0x81: {  	_ =	shalt  }
0x82: {  	_ =	shalt  }
0x83: {  	_ =	shalt  }
0x84: {  	_ =	shalt  }
0x85: {  	_ =	shalt  }
0x86: {  	_ =	shalt  }
0x87: {  	_ =	shalt  }
.Lfunc_end0:
.L_simem_size_0:
called_computation_lowered:
.L_overlay_start_0:
0x88: {  	s2 =	sld [smem:$0x3FD9]  }
0x89: {  	s3 =	sld [smem:$0x3FFE];
	_ =	sdelay $0x1  }
0x8a: {  	s1 =	srdreg.scid  }
0x8b: {  	s0 =	sand.u32 $0x1, s1  }
0x8c: {  	s17 =	sshll.u32 s0, $0xA;
	s2 =	sadd.s32 s3, s2  }
0x8d: {  	s2 =	sadd.s32 s2, s17  }
0x8e: {  	[smem:$0x3FC5] =	sst s2  }
0x8f: {  	_ = 	snop  }
0x90: {  	s2 =	sld [smem:$0x3FC9]  }
0x91: {  	s18 =	sld [smem:$0x3FD0];
	(tm) =	ssettm $0x1  }
0x92: {  	s4 =	sld [smem:$0x3FFB];
	_ =	sdelay $0x3  }
0x93: {  	_ =	strace s4  }
0x94: {  	s4 =	sld [smem:$0x3FFC];
	_ =	sdelay $0x3  }
0x95: {  	_ =	strace s4  }
0x96: {  	s4 =	sld [smem:$0x3FFD];
	_ =	sdelay $0x3  }
0x97: {  	_ =	strace s4  }
0x98: {  	_ =	strace $0x8FFFFFFF  }
0x99: {  	s19 =	sld [smem:$0x3FDB];
	_ =	sdelay $0x1  }
0x9a: {  	s5 =	simm.s32 $_scs_section_size  }
0x9b: {  	s6 =	simm.s32 $_size__tile_overlayer_lowered;
	s7 =	simm.s32 $_tile_overlayer_lowered  }
0x9c: {  	s22 =	simm.s32 $0x1BFF;
	s21 =	sshll.u32 s7, $0x1;
	s4 =	sadd.s32 s5, s19  }
0x9d: {  	s8 =	simm.s32 $0x0;
	s20 =	sshll.u32 s6, $0x1;
	s6 =	sadd.s32 s21, s4  }
0x9e: {  	[timem:s8], [sflag:s22] =	dma.local [hbm:s6], s20  }
0x9f: {  	_ =	swait.ge [sflag:s22], s20  }
0xa0: {  	s5 =	ssub.s32 $0x0, s20;
	[sflag:s22] =	ssyncset.done $0x0  }
0xa1: {  	[sflag:s22] =	ssyncadd.s32 s5;
	_ =	sdelay $0x1  }
0xa2: {  	s23 =	simm.s32 $0x1B8B  }
0xa3: {  	_ =	swait.ge [sflag:s23], $0x1  }
0xa4: {  	[sflag:s23] =	ssyncset.done $0x0  }
0xa5: {  	s25 =	simm.s32 $0x1B8E;
	s24 =	sld [smem:$0x3FFE];
	[sflag:s23] =	ssyncadd.s32 $0xFFFFFFFF  }
0xa6: {  	s26 =	simm.s32 $execute0_lowered;
	[smem:$0x3FD2] =	sst s25  }
0xa7: {  	s6 =	sshll.u32 s26, $0x1;
	_ =	strace $0x80000046;
	[dreg:$0x1] =	wrdreg $0xFFFFFFFF  }
0xa8: {  	s28 =	simm.s32 $_size_execute0_lowered;
	s4 =	sadd.s32 s4, s6;
	[dreg:$0x0] =	wrdreg $0x0  }
0xa9: {  	s6 =	sshll.u32 s28, $0x1;
	[dreg:$0x2] =	wrdreg s4  }
0xaa: {  	[dreg:$0x3] =	wrdreg s6  }
0xab: {  	[dreg:$0x4] =	wrdreg $0xC0  }
0xac: {  	_ =	task [dreg:s8], $0x5FFFF  }
0xad: {  	[dreg:$0x1] =	wrdreg $0xFFFFFFFF  }
0xae: {  	[dreg:$0x0] =	wrdreg $0x60  }
0xaf: {  	[dreg:$0x2] =	wrdreg s2  }
0xb0: {  	[dreg:$0x3] =	wrdreg s24  }
0xb1: {  	[dreg:$0x4] =	wrdreg s18  }
0xb2: {  	[dreg:$0x5] =	wrdreg $0x9  }
0xb3: {  	_ =	task.clear_ibuf [dreg:s8], $0x6FFFF;
	_ =	strace $0x90000046  }
0xb4: {  	s29 =	simm.s32 $0x9;
	_ =	strace $0x80000048  }
0xb5: {  	_ =	swait.ge [sflag:s29], $0x1  }
0xb6: {  	[sflag:s29] =	ssyncadd.s32 $0xFFFFFFFF  }
0xb7: {  	_ =	strace $0x90000048  }
0xb8: {  	_ =	sfence  }
0xb9: {  	s30 =	sld [smem:$0x0];
	_ =	sdelay $0x2  }
0xba: {  	s31 =	sshll.u32 s1, $0xD;
	s1 =	sshrl.u32 s1, $0x2  }
0xbb: {  	s3 =	sand.u32 $0x4000, s31;
	s1 =	sadd.s32 s1, s30  }
0xbc: {  	s0 =	sor.u32 s3, s0;
	s1 =	sshll.u32 s1, $0x11  }
0xbd: {  	s0 =	sor.u32 s1, s0  }
0xbe: {  	s0 =	sadd.s32 $0x8F2B, s0  }
0xbf: {  	[sflag:s0] =	ssyncadd.remote.s32 $0x1  }
0xc0: {  	_ =	sfence.sel $0xFFFF  }
0xc1: {  	[dreg:$0x0] =	wrdreg $0xFFFFFFFF;
	(pc) =	sbr.abs _section_cstart, $3  }
0xc2: {  	[dreg:$0x1] =	wrdreg $0xFFFFFFFF  }
0xc3: {  	_ =	task.clear_ibuf [dreg:s8], $0x2FFFF;
	_ =	strace $0x9FFFFFFF  }
0xc4: {  	(tm) =	ssettm $0x7FFFFFFF  }
0xc5: {  	_ =	shalt  }
tec
execute0_lowered:
.L_overlay_start_1:
0x0: {  	(tag) =	ssettag $0x1  }
0x1: {  	s1 =	rddreg [dreg:$0x0]  }
0x2: {  	s5 =	rddreg [dreg:$0x1]  }
0x3: {  	s3 =	rddreg [dreg:$0x2]  }
0x4: {  	s0 =	rddreg [dreg:$0x3];
	s6 =	srdreg.scid;
	s4 =	simm.s32 $0x0  }
0x5: {  	s2 =	stileid.u32;
	s10 =	simm.s32 $0x1800;
	s11 =	simm.s32 $0x1  }
0x6: {  	s12 =	simm.s32 $0x8800;
	s13 =	simm.s32 $0x10800;
	s8 =	sand.u32 $0x1, s6  }
.Ltmp0:
0x7: {  	[smem:$0x7FF] =	sst s4;
	s7 =	sshll.u32 s2, $0x1;
	(pc) =	sbr.rel .LBB2_1-.Ltmp0, $4  }
0x8: {  	s5 =	sadd.s32 $0x800, s5;
	s31 =	sshll.u32 s2, $0x2;
	s6 =	ssub.s32 $0x2, s8  }
0x9: {  	s7 =	sor.u32 s8, s7;
	s8 =	sshll.u32 s8, $0x1;
	s9 =	sshrl.u32 s6, $0x1  }
0xa: {  	_ =	strace $0x80000047;
	s8 =	ssub.s32 s31, s8;
	s9 =	ssub.s32 s6, s9  }
0xb: {  	s6 =	smul.u32 $0x6, s7;
	s7 =	smax.u32 s9, $0x1;
	s9 =	simm.s32 $0x400  }
.LBB2_8:
0xc: {  	s4 =	sadd.s32 $0x1, s4  }
0xd: {  	p0 =	sne.s32 s4, s7  }
.Ltmp1:
0xe: {  	_ = 	snop;
	(pc) =	sbr.rel @!p0 .LBB2_9-.Ltmp1, $1  }
0xf: {  	_ =	sdelay $0x3  }
.LBB2_1:
.Ltmp2:
0x10: {  	(pc) =	sbr.rel .LBB2_2-.Ltmp2, $2  }
0x11: {  	_ =	sdelay $0x2  }
0x12: {  	s14 =	smov.u32 s8;
	s15 =	simm.s32 $0x0  }
.LBB2_6:
0x13: {  	v0 =	vld [tilespmem:$0x10780]  }
0x14: {  	v1 =	vld [tilespmem:$0x18780]  }
0x15: {  	v2 =	vld [tilespmem:$0x10700]  }
0x16: {  	v3 =	vld [tilespmem:$0x18700]  }
0x17: {  	v4 =	vld [tilespmem:$0x10790]  }
0x18: {  	v5 =	vld [tilespmem:$0x18790]  }
0x19: {  	v6 =	vld [tilespmem:$0x10710]  }
0x1a: {  	v7 =	vld [tilespmem:$0x18710]  }
0x1b: {  	v8 =	vld [tilespmem:$0x107A0]  }
0x1c: {  	v9 =	vld [tilespmem:$0x187A0]  }
0x1d: {  	v10 =	vld [tilespmem:$0x10720]  }
0x1e: {  	v11 =	vld [tilespmem:$0x18720]  }
0x1f: {  	v12 =	vld [tilespmem:$0x107B0]  }
0x20: {  	v13 =	vld [tilespmem:$0x187B0]  }
0x21: {  	v14 =	vld [tilespmem:$0x10730]  }
0x22: {  	v15 =	vld [tilespmem:$0x18730]  }
0x23: {  	v16 =	vld [tilespmem:$0x107C0]  }
0x24: {  	v17 =	vld [tilespmem:$0x187C0]  }
0x25: {  	v18 =	vld [tilespmem:$0x10740]  }
0x26: {  	v19 =	vld [tilespmem:$0x18740]  }
0x27: {  	v38 =	vld [tilespmem:$0x107D0];
	vm0 =	vlt.f32 v0, $0.0e+00  }
0x28: {  	v39 =	vld [tilespmem:$0x187D0];
	vm13 =	vge.f32 v2, $1.000000000e+00;
	v1 =	vnsel vm0, $0x0, v1  }
0x29: {  	v41 =	vld [tilespmem:$0x10750];
	vm14 =	vlt.f32 v4, $0.0e+00;
	v40 =	vsel vm13, $0x0, v3;
	[tilespmem:$0x18780] =	vst v1  }
0x2a: {  	v43 =	vld [tilespmem:$0x18750];
	vm15 =	vge.f32 v6, $1.000000000e+00;
	v42 =	vnsel vm14, $0x0, v5;
	[tilespmem:$0x18700] =	vst v40  }
0x2b: {  	v45 =	vld [tilespmem:$0x107E0];
	vm4 =	vlt.f32 v8, $0.0e+00;
	v44 =	vsel vm15, $0x0, v7;
	[tilespmem:$0x18790] =	vst v42  }
0x2c: {  	v47 =	vld [tilespmem:$0x187E0];
	vm5 =	vge.f32 v10, $1.000000000e+00;
	v46 =	vnsel vm4, $0x0, v9;
	[tilespmem:$0x18710] =	vst v44  }
0x2d: {  	v49 =	vld [tilespmem:$0x10760];
	vm6 =	vlt.f32 v12, $0.0e+00;
	v48 =	vsel vm5, $0x0, v11;
	[tilespmem:$0x187A0] =	vst v46  }
0x2e: {  	v51 =	vld [tilespmem:$0x18760];
	vm7 =	vge.f32 v14, $1.000000000e+00;
	v50 =	vnsel vm6, $0x0, v13;
	[tilespmem:$0x18720] =	vst v48  }
0x2f: {  	v53 =	vld [tilespmem:$0x107F0];
	vm8 =	vlt.f32 v16, $0.0e+00;
	v52 =	vsel vm7, $0x0, v15;
	[tilespmem:$0x187B0] =	vst v50  }
0x30: {  	v55 =	vld [tilespmem:$0x187F0];
	vm9 =	vge.f32 v18, $1.000000000e+00;
	v54 =	vnsel vm8, $0x0, v17;
	[tilespmem:$0x18730] =	vst v52  }
0x31: {  	v57 =	vld [tilespmem:$0x10770];
	vm10 =	vlt.f32 v38, $0.0e+00;
	v56 =	vsel vm9, $0x0, v19;
	[tilespmem:$0x187C0] =	vst v54  }
0x32: {  	v59 =	vld [tilespmem:$0x18770];
	vm11 =	vge.f32 v41, $1.000000000e+00;
	v58 =	vnsel vm10, $0x0, v39;
	[tilespmem:$0x18740] =	vst v56  }
0x33: {  	vm12 =	vlt.f32 v45, $0.0e+00;
	v60 =	vsel vm11, $0x0, v43;
	[tilespmem:$0x187D0] =	vst v58  }
0x34: {  	v61 =	vnsel vm12, $0x0, v47;
	vm13 =	vge.f32 v49, $1.000000000e+00;
	[tilespmem:$0x18750] =	vst v60  }
0x35: {  	vm14 =	vlt.f32 v53, $0.0e+00;
	[tilespmem:$0x187E0] =	vst v61;
	v62 =	vsel vm13, $0x0, v51  }
0x36: {  	vm15 =	vge.f32 v57, $1.000000000e+00;
	v63 =	vnsel vm14, $0x0, v55;
	[tilespmem:$0x18760] =	vst v62  }
0x37: {  	v0 =	vsel vm15, $0x0, v59;
	[tilespmem:$0x187F0] =	vst v63  }
0x38: {  	[tilespmem:$0x18770] =	vst v0  }
.LBB2_7:
0x39: {  	s15 =	sadd.s32 $0x1, s15  }
0x3a: {  	p0 =	sne.s32 s15, $0x6  }
.Ltmp3:
0x3b: {  	s16 =	sadd.s32 s3, s16;
	(pc) =	sbr.rel @!p0 .LBB2_8-.Ltmp3, $4  }
0x3c: {  	[hbm4b:s16+s9] =	stream.strided.scatter [tilespmem:s13], [sflag:$0x1], $0x8000, s10, s9, $0x38;
	[tilespmem:$0x18800] =	vst v63  }
0x3d: {  	_ =	swait.ge [sflag:s11], $0x8000  }
0x3e: {  	[sflag:s11] =	ssyncset.done $0x0  }
0x3f: {  	s14 =	sadd.s32 $0x1, s14;
	[sflag:s11] =	ssyncadd.s32 $0xFFFF8000  }
.LBB2_2:
0x40: {  	s16 =	sadd.s32 s6, s15  }
0x41: {  	s17 =	sand.u32 $0x7, s16;
	s19 =	sshrl.u32 s16, $0x3  }
0x42: {  	s18 =	sshll.u32 s17, $0x8;
	s20 =	smulhi.u32 $0x2AAAAAAB, s19  }
0x43: {  	s16 =	smulhi.u32 $0xAAAAAAAB, s16;
	s18 =	smax.u32 s18, $0x8  }
0x44: {  	s18 =	smin.u32 s18, $0x6F8;
	s20 =	smul.u32 $0x6, s20  }
0x45: {  	s16 =	sshrl.u32 s16, $0x5;
	s21 =	sadd.s32 $0xFFFFFFF8, s18  }
0x46: {  	s16 =	smul.u32 $0x180000, s16;
	s21 =	sshrl.u32 s21, $0x3;
	s19 =	ssub.s32 s19, s20  }
0x47: {  	s25 =	sand.u32 $0x7, s14;
	s23 =	smul.u32 $0x1800, s21;
	s19 =	sshll.u32 s19, $0xA  }
0x48: {  	s22 =	simm.s32 $0x0;
	s26 =	sshll.u32 s25, $0x8;
	s24 =	sor.u32 s16, s19  }
0x49: {  	s28 =	smul.u32 $0x30000, s17;
	s20 =	sadd.s32 s23, s24;
	s23 =	smax.u32 s26, $0x8  }
0x4a: {  	s21 =	sshll.u32 s25, $0x11;
	s20 =	sshrl.u32 s20, $0x3;
	s23 =	smin.u32 s23, $0x6F8  }
0x4b: {  	s16 =	sadd.s32 s28, s16;
	s20 =	sadd.s32 s1, s20;
	s29 =	sshll.u32 s23, $0x9  }
0x4c: {  	[tilespmem:s22], [sflag:$0x1] =	stream.strided.gather [hbm4b:s20+s9], $0x8800, s10, s9, $0x38;
	[tilespmem:$0x18800] =	vst v63  }
0x4d: {  	s16 =	sor.u32 s19, s16;
	s30 =	ssub.s32 s21, s29;
	_ =	swait.ge [sflag:s11], $0x8800  }
0x4e: {  	s16 =	sshrl.u32 s16, $0x3;
	s19 =	sshra.s32 s30, $0x2;
	[sflag:s11] =	ssyncset.done $0x0  }
0x4f: {  	s31 =	sadd.s32 s5, s16;
	s19 =	sadd.s32 $0x400, s19;
	[sflag:s11] =	ssyncadd.s32 $0xFFFF7800  }
0x50: {  	[tilespmem:s12], [sflag:$0x1] =	stream.strided.gather [hbm4b:s31+s9], $0x8000, s10, s9, $0x38;
	[tilespmem:$0x18800] =	vst v63  }
0x51: {  	p0 =	slt.s32 s26, $0x7FE;
	p1 =	sgt.s32 s26, $0x1;
	v0 =	vmov s19;
	_ =	swait.ge [sflag:s11], $0x8000  }
0x52: {  	s21 =	smov.u32 s26;
	s22 =	smov.u32 s26;
	[sflag:s11] =	ssyncset.done $0x0  }
0x53: {  	s21 =	simm.s32 @!p0 $0x7FE;
	s19 =	simm.s32 $0x0;
	[sflag:s11] =	ssyncadd.s32 $0xFFFF8000  }
0x54: {  	s22 =	simm.s32 @!p1 $0x1;
	s21 =	ssub.s32 s21, s18;
	v1 =	vld [tilespmem:s19+$0x8800]  }
0x55: {  	s22 =	ssub.s32 s22, s18;
	s21 =	sshll.u32 s21, $0x9  }
0x56: {  	s22 =	sshll.u32 s22, $0x9;
	s21 =	sshra.s32 s21, $0x2;
	v2 =	vld.idx.msk [tilespmem:v0+s19+$0x0 ss:$0x1], $0xffff  }
0x57: {  	s22 =	sshra.s32 s22, $0x2;
	v3 =	vld [tilespmem:s21+$0x480]  }
0x58: {  	v4 =	vld [tilespmem:s22+$0x380]  }
0x59: {  	vm0 =	vge.f32 v1, $1.000000000e+00;
	v5 =	vadd.f32 $1.000000000e+00, v1  }
0x5a: {  	vm1 =	vlt.f32 v1, $0.0e+00;
	v1 =	vsel vm0, $0x0, v1  }
0x5b: {  	v1 =	vsel vm1, v5, v1  }
0x5c: {  	v8 =	vsel vm0, v3, v2;
	v7 =	vsub.f32 $1.000000000e+00, v1  }
0x5d: {  	v2 =	vsel vm1, v2, v3;
	v3 =	vsel vm1, v4, v8  }
0x5e: {  	v1 =	vmul.f32 v2, v1;
	v3 =	vmul.f32 v3, v7;
	_ =	sdelay $0x1  }
0x5f: {  	v1 =	vadd.f32 v3, v1  }
0x60: {  	v6 =	vld [tilespmem:s19+$0x8810]  }
0x61: {  	[tilespmem:s19+$0x10800] =	vst v1  }
0x62: {  	v1 =	vld.idx.msk [tilespmem:v0+s19+$0x10 ss:$0x1], $0xffff  }
0x63: {  	v35 =	vld [tilespmem:s21+$0x490]  }
0x64: {  	v10 =	vld [tilespmem:s22+$0x390]  }
0x65: {  	vm14 =	vge.f32 v6, $1.000000000e+00;
	v11 =	vadd.f32 $1.000000000e+00, v6  }
0x66: {  	vm15 =	vlt.f32 v6, $0.0e+00;
	v6 =	vsel vm14, $0x0, v6  }
0x67: {  	v6 =	vsel vm15, v11, v6  }
0x68: {  	v11 =	vsub.f32 $1.000000000e+00, v6;
	v12 =	vsel vm14, v35, v1  }
0x69: {  	v1 =	vsel vm15, v1, v35;
	v36 =	vsel vm15, v10, v12  }
0x6a: {  	v1 =	vmul.f32 v1, v6;
	v8 =	vmul.f32 v36, v11;
	_ =	sdelay $0x1  }
0x6b: {  	v1 =	vadd.f32 v8, v1  }
0x6c: {  	v32 =	vld [tilespmem:s19+$0x8820]  }
0x6d: {  	[tilespmem:s19+$0x10810] =	vst v1  }
0x6e: {  	v1 =	vld.idx.msk [tilespmem:v0+s19+$0x20 ss:$0x1], $0xffff  }
0x6f: {  	v37 =	vld [tilespmem:s21+$0x4A0]  }
0x70: {  	v38 =	vld [tilespmem:s22+$0x3A0]  }
0x71: {  	vm4 =	vge.f32 v32, $1.000000000e+00;
	v39 =	vadd.f32 $1.000000000e+00, v32  }
0x72: {  	vm5 =	vlt.f32 v32, $0.0e+00;
	v5 =	vsel vm4, $0x0, v32  }
0x73: {  	v5 =	vsel vm5, v39, v5  }
0x74: {  	v10 =	vsub.f32 $1.000000000e+00, v5;
	v40 =	vsel vm4, v37, v1  }
0x75: {  	v1 =	vsel vm5, v1, v37;
	v41 =	vsel vm5, v38, v40  }
0x76: {  	v1 =	vmul.f32 v1, v5;
	v6 =	vmul.f32 v41, v10;
	_ =	sdelay $0x1  }
0x77: {  	v1 =	vadd.f32 v6, v1  }
0x78: {  	v9 =	vld [tilespmem:s19+$0x8830]  }
0x79: {  	[tilespmem:s19+$0x10820] =	vst v1  }
0x7a: {  	v1 =	vld.idx.msk [tilespmem:v0+s19+$0x30 ss:$0x1], $0xffff  }
0x7b: {  	v42 =	vld [tilespmem:s21+$0x4B0]  }
0x7c: {  	v43 =	vld [tilespmem:s22+$0x3B0]  }
0x7d: {  	v44 =	vadd.f32 $1.000000000e+00, v9;
	vm6 =	vge.f32 v9, $1.000000000e+00  }
0x7e: {  	vm7 =	vlt.f32 v9, $0.0e+00;
	v9 =	vsel vm6, $0x0, v9  }
0x7f: {  	v8 =	vsel vm7, v44, v9  }
0x80: {  	v9 =	vsub.f32 $1.000000000e+00, v8;
	v45 =	vsel vm6, v42, v1  }
0x81: {  	v1 =	vsel vm7, v1, v42;
	v46 =	vsel vm7, v43, v45  }
0x82: {  	v1 =	vmul.f32 v1, v8;
	v5 =	vmul.f32 v46, v9;
	_ =	sdelay $0x1  }
0x83: {  	v1 =	vadd.f32 v5, v1  }
0x84: {  	v33 =	vld [tilespmem:s19+$0x8840]  }
0x85: {  	[tilespmem:s19+$0x10830] =	vst v1  }
0x86: {  	v1 =	vld.idx.msk [tilespmem:v0+s19+$0x40 ss:$0x1], $0xffff  }
0x87: {  	v47 =	vld [tilespmem:s21+$0x4C0]  }
0x88: {  	v48 =	vld [tilespmem:s22+$0x3C0]  }
0x89: {  	v49 =	vadd.f32 $1.000000000e+00, v33;
	vm8 =	vge.f32 v33, $1.000000000e+00  }
0x8a: {  	vm9 =	vlt.f32 v33, $0.0e+00;
	v4 =	vsel vm8, $0x0, v33  }
0x8b: {  	v4 =	vsel vm9, v49, v4  }
0x8c: {  	v8 =	vsub.f32 $1.000000000e+00, v4;
	v50 =	vsel vm8, v47, v1  }
0x8d: {  	v1 =	vsel vm9, v1, v47;
	v51 =	vsel vm9, v48, v50  }
0x8e: {  	v1 =	vmul.f32 v1, v4;
	v5 =	vmul.f32 v51, v8;
	_ =	sdelay $0x1  }
0x8f: {  	v1 =	vadd.f32 v5, v1  }
0x90: {  	v2 =	vld [tilespmem:s19+$0x8850]  }
0x91: {  	[tilespmem:s19+$0x10840] =	vst v1  }
0x92: {  	v1 =	vld.idx.msk [tilespmem:v0+s19+$0x50 ss:$0x1], $0xffff  }
0x93: {  	v52 =	vld [tilespmem:s21+$0x4D0]  }
0x94: {  	v53 =	vld [tilespmem:s22+$0x3D0]  }
0x95: {  	v54 =	vadd.f32 $1.000000000e+00, v2;
	vm10 =	vge.f32 v2, $1.000000000e+00  }
0x96: {  	vm11 =	vlt.f32 v2, $0.0e+00;
	v2 =	vsel vm10, $0x0, v2  }
0x97: {  	v2 =	vsel vm11, v54, v2  }
0x98: {  	v6 =	vsub.f32 $1.000000000e+00, v2;
	v55 =	vsel vm10, v52, v1  }
0x99: {  	v1 =	vsel vm11, v1, v52;
	v56 =	vsel vm11, v53, v55  }
0x9a: {  	v1 =	vmul.f32 v1, v2;
	v4 =	vmul.f32 v56, v6;
	_ =	sdelay $0x1  }
0x9b: {  	v1 =	vadd.f32 v4, v1  }
0x9c: {  	v34 =	vld [tilespmem:s19+$0x8860]  }
0x9d: {  	[tilespmem:s19+$0x10850] =	vst v1  }
0x9e: {  	v1 =	vld.idx.msk [tilespmem:v0+s19+$0x60 ss:$0x1], $0xffff  }
0x9f: {  	v2 =	vld [tilespmem:s21+$0x4E0]  }
0xa0: {  	v57 =	vld [tilespmem:s22+$0x3E0]  }
0xa1: {  	v58 =	vadd.f32 $1.000000000e+00, v34;
	vm12 =	vge.f32 v34, $1.000000000e+00  }
0xa2: {  	vm13 =	vlt.f32 v34, $0.0e+00;
	v59 =	vsel vm12, $0x0, v34  }
0xa3: {  	v5 =	vsel vm13, v58, v59  }
0xa4: {  	v6 =	vsub.f32 $1.000000000e+00, v5;
	v60 =	vsel vm12, v2, v1  }
0xa5: {  	v1 =	vsel vm13, v1, v2;
	v2 =	vsel vm13, v57, v60  }
0xa6: {  	v1 =	vmul.f32 v1, v5;
	v2 =	vmul.f32 v2, v6;
	_ =	sdelay $0x1  }
0xa7: {  	v1 =	vadd.f32 v2, v1  }
0xa8: {  	v3 =	vld [tilespmem:s19+$0x8870]  }
0xa9: {  	[tilespmem:s19+$0x10860] =	vst v1  }
0xaa: {  	v1 =	vld.idx.msk [tilespmem:v0+s19+$0x70 ss:$0x1], $0xffff  }
0xab: {  	v2 =	vld [tilespmem:s21+$0x4F0]  }
0xac: {  	v61 =	vld [tilespmem:s22+$0x3F0]  }
0xad: {  	v62 =	vadd.f32 $1.000000000e+00, v3;
	vm14 =	vge.f32 v3, $1.000000000e+00  }
0xae: {  	vm15 =	vlt.f32 v3, $0.0e+00;
	v3 =	vsel vm14, $0x0, v3  }
0xaf: {  	v3 =	vsel vm15, v62, v3  }
0xb0: {  	v5 =	vsub.f32 $1.000000000e+00, v3;
	v63 =	vsel vm14, v2, v1  }
0xb1: {  	s20 =	sadd.s32 $0x1, s26;
	v1 =	vsel vm15, v1, v2;
	v2 =	vsel vm15, v61, v63  }
0xb2: {  	s23 =	simm.s32 $0x80;
	p0 =	slt.s32 s20, $0x7FE;
	s21 =	smov.u32 s20;
	v1 =	vmul.f32 v1, v3;
	v2 =	vmul.f32 v2, v5  }
0xb3: {  	p1 =	sgt.s32 s20, $0x1;
	s22 =	smov.u32 s20;
	s21 =	simm.s32 @!p0 $0x7FE  }
0xb4: {  	s24 =	simm.s32 $0x400;
	s22 =	simm.s32 @!p1 $0x1;
	s25 =	ssub.s32 s21, s18;
	v2 =	vadd.f32 v2, v1;
	v1 =	vld [tilespmem:s23+$0x8800]  }
.LBB2_3:
0xb5: {  	s26 =	ssub.s32 s22, s18;
	s25 =	sshll.u32 s25, $0x9  }
0xb6: {  	v7 =	vld [tilespmem:s23+$0x8810];
	[tilespmem:s19+$0x10870] =	vst v2;
	s22 =	smov.u32 s24;
	s21 =	sadd.s32 $0x200, s24;
	s19 =	smov.u32 s23  }
0xb7: {  	p0 =	sne.s32 s24, $0x1FE00;
	s23 =	sshll.u32 s26, $0x9;
	v2 =	vld.idx.msk [tilespmem:v0+s19+$0x0 ss:$0x1], $0xffff;
	s24 =	sshra.s32 s25, $0x2  }
0xb8: {  	s23 =	sshra.s32 s23, $0x2;
	v3 =	vld [tilespmem:s24+$0x480]  }
0xb9: {  	v4 =	vld [tilespmem:s23+$0x380]  }
0xba: {  	vm0 =	vge.f32 v1, $1.000000000e+00;
	v5 =	vadd.f32 $1.000000000e+00, v1;
	v8 =	vld [tilespmem:s19+$0x8820]  }
0xbb: {  	vm1 =	vlt.f32 v1, $0.0e+00;
	v1 =	vsel vm0, $0x0, v1;
	v9 =	vld [tilespmem:s19+$0x8830]  }
0xbc: {  	v1 =	vsel vm1, v5, v1;
	v10 =	vld [tilespmem:s19+$0x8840]  }
0xbd: {  	v6 =	vsub.f32 $1.000000000e+00, v1;
	v11 =	vsel vm0, v3, v2;
	v2 =	vsel vm1, v2, v3;
	v5 =	vld [tilespmem:s19+$0x8850]  }
0xbe: {  	v4 =	vsel vm1, v4, v11;
	v3 =	vld [tilespmem:s19+$0x8860]  }
0xbf: {  	v2 =	vmul.f32 v2, v1;
	v4 =	vmul.f32 v4, v6;
	v1 =	vld [tilespmem:s19+$0x8870]  }
0xc0: {  	v11 =	vadd.f32 $1.000000000e+00, v9  }
0xc1: {  	v2 =	vadd.f32 v4, v2;
	v12 =	vadd.f32 $1.000000000e+00, v10  }
0xc2: {  	v6 =	vadd.f32 $1.000000000e+00, v5  }
0xc3: {  	[tilespmem:s19+$0x10800] =	vst v2;
	v4 =	vadd.f32 $1.000000000e+00, v3  }
0xc4: {  	v13 =	vld.idx.msk [tilespmem:v0+s19+$0x10 ss:$0x1], $0xffff;
	v2 =	vadd.f32 $1.000000000e+00, v1  }
0xc5: {  	v14 =	vld [tilespmem:s24+$0x490]  }
0xc6: {  	v15 =	vld [tilespmem:s23+$0x390]  }
0xc7: {  	v16 =	vadd.f32 $1.000000000e+00, v7;
	vm0 =	vge.f32 v7, $1.000000000e+00  }
0xc8: {  	vm1 =	vlt.f32 v7, $0.0e+00;
	v7 =	vsel vm0, $0x0, v7  }
0xc9: {  	v7 =	vsel vm1, v16, v7  }
0xca: {  	v16 =	vsub.f32 $1.000000000e+00, v7;
	v17 =	vsel vm0, v14, v13;
	v13 =	vsel vm1, v13, v14  }
0xcb: {  	v14 =	vsel vm1, v15, v17  }
0xcc: {  	v7 =	vmul.f32 v13, v7;
	v14 =	vmul.f32 v14, v16;
	_ =	sdelay $0x1  }
0xcd: {  	v7 =	vadd.f32 v14, v7;
	_ =	sdelay $0x1  }
0xce: {  	[tilespmem:s19+$0x10810] =	vst v7  }
0xcf: {  	v7 =	vld.idx.msk [tilespmem:v0+s19+$0x20 ss:$0x1], $0xffff  }
0xd0: {  	v13 =	vld [tilespmem:s24+$0x4A0]  }
0xd1: {  	v14 =	vld [tilespmem:s23+$0x3A0]  }
0xd2: {  	vm0 =	vge.f32 v8, $1.000000000e+00;
	v15 =	vadd.f32 $1.000000000e+00, v8  }
0xd3: {  	vm1 =	vlt.f32 v8, $0.0e+00;
	v8 =	vsel vm0, $0x0, v8  }
0xd4: {  	v8 =	vsel vm1, v15, v8  }
0xd5: {  	v15 =	vsub.f32 $1.000000000e+00, v8;
	v16 =	vsel vm0, v13, v7;
	v7 =	vsel vm1, v7, v13  }
0xd6: {  	v13 =	vsel vm1, v14, v16  }
0xd7: {  	v7 =	vmul.f32 v7, v8;
	v13 =	vmul.f32 v13, v15;
	_ =	sdelay $0x1  }
0xd8: {  	v7 =	vadd.f32 v13, v7;
	_ =	sdelay $0x1  }
0xd9: {  	[tilespmem:s19+$0x10820] =	vst v7  }
0xda: {  	v7 =	vld.idx.msk [tilespmem:v0+s19+$0x30 ss:$0x1], $0xffff  }
0xdb: {  	v8 =	vld [tilespmem:s24+$0x4B0]  }
0xdc: {  	v13 =	vld [tilespmem:s23+$0x3B0]  }
0xdd: {  	vm0 =	vge.f32 v9, $1.000000000e+00  }
0xde: {  	vm1 =	vlt.f32 v9, $0.0e+00;
	v9 =	vsel vm0, $0x0, v9  }
0xdf: {  	v9 =	vsel vm1, v11, v9  }
0xe0: {  	v11 =	vsub.f32 $1.000000000e+00, v9;
	v14 =	vsel vm0, v8, v7;
	v7 =	vsel vm1, v7, v8  }
0xe1: {  	v8 =	vsel vm1, v13, v14  }
0xe2: {  	v7 =	vmul.f32 v7, v9;
	v8 =	vmul.f32 v8, v11;
	_ =	sdelay $0x1  }
0xe3: {  	v7 =	vadd.f32 v8, v7;
	_ =	sdelay $0x1  }
0xe4: {  	[tilespmem:s19+$0x10830] =	vst v7  }
0xe5: {  	v7 =	vld.idx.msk [tilespmem:v0+s19+$0x40 ss:$0x1], $0xffff  }
0xe6: {  	v8 =	vld [tilespmem:s24+$0x4C0]  }
0xe7: {  	v9 =	vld [tilespmem:s23+$0x3C0]  }
0xe8: {  	vm0 =	vge.f32 v10, $1.000000000e+00  }
0xe9: {  	vm1 =	vlt.f32 v10, $0.0e+00;
	v10 =	vsel vm0, $0x0, v10  }
0xea: {  	v10 =	vsel vm1, v12, v10  }
0xeb: {  	v11 =	vsub.f32 $1.000000000e+00, v10;
	v12 =	vsel vm0, v8, v7;
	v7 =	vsel vm1, v7, v8  }
0xec: {  	v8 =	vsel vm1, v9, v12  }
0xed: {  	v7 =	vmul.f32 v7, v10;
	v8 =	vmul.f32 v8, v11;
	_ =	sdelay $0x1  }
0xee: {  	v7 =	vadd.f32 v8, v7;
	_ =	sdelay $0x1  }
0xef: {  	[tilespmem:s19+$0x10840] =	vst v7  }
0xf0: {  	v7 =	vld.idx.msk [tilespmem:v0+s19+$0x50 ss:$0x1], $0xffff  }
0xf1: {  	v8 =	vld [tilespmem:s24+$0x4D0]  }
0xf2: {  	v9 =	vld [tilespmem:s23+$0x3D0]  }
0xf3: {  	vm0 =	vge.f32 v5, $1.000000000e+00  }
0xf4: {  	vm1 =	vlt.f32 v5, $0.0e+00;
	v5 =	vsel vm0, $0x0, v5  }
0xf5: {  	v5 =	vsel vm1, v6, v5  }
0xf6: {  	v6 =	vsub.f32 $1.000000000e+00, v5;
	v10 =	vsel vm0, v8, v7;
	v7 =	vsel vm1, v7, v8  }
0xf7: {  	v8 =	vsel vm1, v9, v10  }
0xf8: {  	v5 =	vmul.f32 v7, v5;
	v6 =	vmul.f32 v8, v6;
	_ =	sdelay $0x1  }
0xf9: {  	v5 =	vadd.f32 v6, v5;
	_ =	sdelay $0x1  }
0xfa: {  	[tilespmem:s19+$0x10850] =	vst v5  }
0xfb: {  	v5 =	vld.idx.msk [tilespmem:v0+s19+$0x60 ss:$0x1], $0xffff  }
0xfc: {  	v6 =	vld [tilespmem:s24+$0x4E0]  }
0xfd: {  	v7 =	vld [tilespmem:s23+$0x3E0]  }
0xfe: {  	vm0 =	vge.f32 v3, $1.000000000e+00  }
0xff: {  	vm1 =	vlt.f32 v3, $0.0e+00;
	v3 =	vsel vm0, $0x0, v3  }
0x100: {  	v3 =	vsel vm1, v4, v3  }
0x101: {  	v4 =	vsub.f32 $1.000000000e+00, v3;
	v8 =	vsel vm0, v6, v5;
	v5 =	vsel vm1, v5, v6  }
0x102: {  	v6 =	vsel vm1, v7, v8  }
0x103: {  	v3 =	vmul.f32 v5, v3;
	v4 =	vmul.f32 v6, v4;
	_ =	sdelay $0x1  }
0x104: {  	v3 =	vadd.f32 v4, v3;
	_ =	sdelay $0x1  }
0x105: {  	[tilespmem:s19+$0x10860] =	vst v3  }
0x106: {  	v3 =	vld.idx.msk [tilespmem:v0+s19+$0x70 ss:$0x1], $0xffff  }
0x107: {  	v4 =	vld [tilespmem:s24+$0x4F0]  }
0x108: {  	v5 =	vld [tilespmem:s23+$0x3F0]  }
0x109: {  	vm0 =	vge.f32 v1, $1.000000000e+00  }
0x10a: {  	vm1 =	vlt.f32 v1, $0.0e+00;
	v1 =	vsel vm0, $0x0, v1  }
0x10b: {  	v1 =	vsel vm1, v2, v1  }
0x10c: {  	v2 =	vsub.f32 $1.000000000e+00, v1;
	v6 =	vsel vm0, v4, v3;
	v3 =	vsel vm1, v3, v4  }
.Ltmp4:
0x10d: {  	v4 =	vsel vm1, v5, v6;
	(pc) =	sbr.rel @p0 .LBB2_3-.Ltmp4, $4  }
0x10e: {  	s20 =	sadd.s32 $0x1, s20;
	v1 =	vmul.f32 v3, v1;
	v2 =	vmul.f32 v4, v2  }
0x10f: {  	p1 =	slt.s32 s20, $0x7FE;
	p2 =	sgt.s32 s20, $0x1;
	s24 =	smov.u32 s20  }
0x110: {  	s24 =	simm.s32 @!p1 $0x7FE;
	s23 =	sshra.s32 s22, $0x2;
	s22 =	smov.u32 s20;
	v2 =	vadd.f32 v2, v1  }
0x111: {  	s22 =	simm.s32 @!p2 $0x1;
	s25 =	ssub.s32 s24, s18;
	s24 =	smov.u32 s21;
	v1 =	vld [tilespmem:s23+$0x8800]  }
0x112: {  	_ =	sdelay $0x2  }
0x113: {  	v3 =	vld [tilespmem:s23+$0x8810];
	s18 =	ssub.s32 s22, s18;
	s20 =	sshll.u32 s25, $0x9;
	[tilespmem:s19+$0x10870] =	vst v2  }
0x114: {  	s30 =	sshll.u32 s18, $0x9;
	v2 =	vld.idx.msk [tilespmem:v0+s23+$0x0 ss:$0x1], $0xffff;
	s31 =	sshra.s32 s20, $0x2  }
0x115: {  	s19 =	sshra.s32 s30, $0x2;
	v4 =	vld [tilespmem:s31+$0x480]  }
0x116: {  	v5 =	vld [tilespmem:s19+$0x380]  }
0x117: {  	vm0 =	vge.f32 v1, $1.000000000e+00;
	v6 =	vadd.f32 $1.000000000e+00, v1  }
0x118: {  	vm1 =	vlt.f32 v1, $0.0e+00;
	v24 =	vsel vm0, $0x0, v1  }
0x119: {  	v1 =	vsel vm1, v6, v24  }
0x11a: {  	v7 =	vsub.f32 $1.000000000e+00, v1;
	v8 =	vsel vm0, v4, v2  }
0x11b: {  	v2 =	vsel vm1, v2, v4;
	v26 =	vsel vm1, v5, v8  }
0x11c: {  	v1 =	vmul.f32 v2, v1;
	v4 =	vmul.f32 v26, v7;
	_ =	sdelay $0x1  }
0x11d: {  	v1 =	vadd.f32 v4, v1;
	_ =	sdelay $0x1  }
0x11e: {  	[tilespmem:s23+$0x10800] =	vst v1  }
0x11f: {  	v1 =	vld.idx.msk [tilespmem:v0+s23+$0x10 ss:$0x1], $0xffff  }
0x120: {  	v31 =	vld [tilespmem:s31+$0x490]  }
0x121: {  	v10 =	vld [tilespmem:s19+$0x390]  }
0x122: {  	vm14 =	vge.f32 v3, $1.000000000e+00;
	v11 =	vadd.f32 $1.000000000e+00, v3  }
0x123: {  	vm15 =	vlt.f32 v3, $0.0e+00;
	v3 =	vsel vm14, $0x0, v3  }
0x124: {  	v3 =	vsel vm15, v11, v3  }
0x125: {  	v11 =	vsub.f32 $1.000000000e+00, v3;
	v12 =	vsel vm14, v31, v1  }
0x126: {  	v1 =	vsel vm15, v1, v31;
	v32 =	vsel vm15, v10, v12  }
0x127: {  	v1 =	vmul.f32 v1, v3;
	v8 =	vmul.f32 v32, v11;
	_ =	sdelay $0x1  }
0x128: {  	v1 =	vadd.f32 v8, v1  }
0x129: {  	v25 =	vld [tilespmem:s23+$0x8820]  }
0x12a: {  	[tilespmem:s23+$0x10810] =	vst v1  }
0x12b: {  	v1 =	vld.idx.msk [tilespmem:v0+s23+$0x20 ss:$0x1], $0xffff  }
0x12c: {  	v33 =	vld [tilespmem:s31+$0x4A0]  }
0x12d: {  	v34 =	vld [tilespmem:s19+$0x3A0]  }
0x12e: {  	vm4 =	vge.f32 v25, $1.000000000e+00;
	v35 =	vadd.f32 $1.000000000e+00, v25  }
0x12f: {  	vm5 =	vlt.f32 v25, $0.0e+00;
	v6 =	vsel vm4, $0x0, v25  }
0x130: {  	v6 =	vsel vm5, v35, v6  }
0x131: {  	v10 =	vsub.f32 $1.000000000e+00, v6;
	v36 =	vsel vm4, v33, v1  }
0x132: {  	v1 =	vsel vm5, v1, v33;
	v37 =	vsel vm5, v34, v36  }
0x133: {  	v1 =	vmul.f32 v1, v6;
	v3 =	vmul.f32 v37, v10;
	_ =	sdelay $0x1  }
0x134: {  	v1 =	vadd.f32 v3, v1  }
0x135: {  	v9 =	vld [tilespmem:s23+$0x8830]  }
0x136: {  	[tilespmem:s23+$0x10820] =	vst v1  }
0x137: {  	v1 =	vld.idx.msk [tilespmem:v0+s23+$0x30 ss:$0x1], $0xffff  }
0x138: {  	v38 =	vld [tilespmem:s31+$0x4B0]  }
0x139: {  	v39 =	vld [tilespmem:s19+$0x3B0]  }
0x13a: {  	v40 =	vadd.f32 $1.000000000e+00, v9;
	vm6 =	vge.f32 v9, $1.000000000e+00  }
0x13b: {  	vm7 =	vlt.f32 v9, $0.0e+00;
	v9 =	vsel vm6, $0x0, v9  }
0x13c: {  	v8 =	vsel vm7, v40, v9  }
0x13d: {  	v9 =	vsub.f32 $1.000000000e+00, v8;
	v41 =	vsel vm6, v38, v1  }
0x13e: {  	v1 =	vsel vm7, v1, v38;
	v42 =	vsel vm7, v39, v41  }
0x13f: {  	v1 =	vmul.f32 v1, v8;
	v3 =	vmul.f32 v42, v9;
	_ =	sdelay $0x1  }
0x140: {  	v1 =	vadd.f32 v3, v1  }
0x141: {  	v27 =	vld [tilespmem:s23+$0x8840]  }
0x142: {  	[tilespmem:s23+$0x10830] =	vst v1  }
0x143: {  	v1 =	vld.idx.msk [tilespmem:v0+s23+$0x40 ss:$0x1], $0xffff  }
0x144: {  	v43 =	vld [tilespmem:s31+$0x4C0]  }
0x145: {  	v44 =	vld [tilespmem:s19+$0x3C0]  }
0x146: {  	v45 =	vadd.f32 $1.000000000e+00, v27;
	vm8 =	vge.f32 v27, $1.000000000e+00  }
0x147: {  	vm9 =	vlt.f32 v27, $0.0e+00;
	v5 =	vsel vm8, $0x0, v27  }
0x148: {  	v5 =	vsel vm9, v45, v5  }
0x149: {  	v8 =	vsub.f32 $1.000000000e+00, v5;
	v46 =	vsel vm8, v43, v1  }
0x14a: {  	v1 =	vsel vm9, v1, v43;
	v47 =	vsel vm9, v44, v46  }
0x14b: {  	v1 =	vmul.f32 v1, v5;
	v3 =	vmul.f32 v47, v8;
	_ =	sdelay $0x1  }
0x14c: {  	v1 =	vadd.f32 v3, v1  }
0x14d: {  	v28 =	vld [tilespmem:s23+$0x8850]  }
0x14e: {  	[tilespmem:s23+$0x10840] =	vst v1  }
0x14f: {  	v1 =	vld.idx.msk [tilespmem:v0+s23+$0x50 ss:$0x1], $0xffff  }
0x150: {  	v48 =	vld [tilespmem:s31+$0x4D0]  }
0x151: {  	v49 =	vld [tilespmem:s19+$0x3D0]  }
0x152: {  	v50 =	vadd.f32 $1.000000000e+00, v28;
	vm10 =	vge.f32 v28, $1.000000000e+00  }
0x153: {  	vm11 =	vlt.f32 v28, $0.0e+00;
	v2 =	vsel vm10, $0x0, v28  }
0x154: {  	v2 =	vsel vm11, v50, v2  }
0x155: {  	v6 =	vsub.f32 $1.000000000e+00, v2;
	v51 =	vsel vm10, v48, v1  }
0x156: {  	v1 =	vsel vm11, v1, v48;
	v52 =	vsel vm11, v49, v51  }
0x157: {  	v1 =	vmul.f32 v1, v2;
	v3 =	vmul.f32 v52, v6;
	_ =	sdelay $0x1  }
0x158: {  	v1 =	vadd.f32 v3, v1  }
0x159: {  	v29 =	vld [tilespmem:s23+$0x8860]  }
0x15a: {  	[tilespmem:s23+$0x10850] =	vst v1  }
0x15b: {  	v1 =	vld.idx.msk [tilespmem:v0+s23+$0x60 ss:$0x1], $0xffff  }
0x15c: {  	v53 =	vld [tilespmem:s31+$0x4E0]  }
0x15d: {  	v54 =	vld [tilespmem:s19+$0x3E0]  }
0x15e: {  	v55 =	vadd.f32 $1.000000000e+00, v29;
	vm12 =	vge.f32 v29, $1.000000000e+00  }
0x15f: {  	vm13 =	vlt.f32 v29, $0.0e+00;
	v56 =	vsel vm12, $0x0, v29  }
0x160: {  	v5 =	vsel vm13, v55, v56  }
0x161: {  	v6 =	vsub.f32 $1.000000000e+00, v5;
	v57 =	vsel vm12, v53, v1  }
0x162: {  	v1 =	vsel vm13, v1, v53;
	v58 =	vsel vm13, v54, v57  }
0x163: {  	v1 =	vmul.f32 v1, v5;
	v2 =	vmul.f32 v58, v6;
	_ =	sdelay $0x1  }
0x164: {  	v1 =	vadd.f32 v2, v1  }
0x165: {  	v30 =	vld [tilespmem:s23+$0x8870]  }
0x166: {  	[tilespmem:s23+$0x10860] =	vst v1  }
0x167: {  	v59 =	vld.idx.msk [tilespmem:v0+s23+$0x70 ss:$0x1], $0xffff  }
0x168: {  	v1 =	vld [tilespmem:s31+$0x4F0]  }
0x169: {  	v60 =	vld [tilespmem:s19+$0x3F0]  }
0x16a: {  	v61 =	vadd.f32 $1.000000000e+00, v30;
	vm14 =	vge.f32 v30, $1.000000000e+00  }
0x16b: {  	vm15 =	vlt.f32 v30, $0.0e+00;
	v4 =	vsel vm14, $0x0, v30  }
0x16c: {  	v3 =	vsel vm15, v61, v4  }
0x16d: {  	v4 =	vsub.f32 $1.000000000e+00, v3;
	v62 =	vsel vm14, v1, v59  }
0x16e: {  	p0 =	seq.s32 s17, $0x7;
	v0 =	vsel vm15, v59, v1;
	v63 =	vsel vm15, v60, v62  }
.Ltmp5:
0x16f: {  	v0 =	vmul.f32 v0, v3;
	v1 =	vmul.f32 v63, v4;
	(pc) =	sbr.rel @p0 .LBB2_6-.Ltmp5, $3  }
0x170: {  	_ = 	snop  }
0x171: {  	v0 =	vadd.f32 v1, v0;
	_ =	sdelay $0x1  }
0x172: {  	[tilespmem:s23+$0x10870] =	vst v0  }
0x173: {  	p0 =	sne.s32 s17, $0x0  }
0x174: {  	v0 =	vld @!p0 [tilespmem:$0x8800]  }
0x175: {  	v1 =	vld @!p0 [tilespmem:$0x10800]  }
0x176: {  	v2 =	vld @!p0 [tilespmem:$0x8810]  }
0x177: {  	v3 =	vld @!p0 [tilespmem:$0x10810]  }
0x178: {  	v4 =	vld @!p0 [tilespmem:$0x8820]  }
0x179: {  	v5 =	vld @!p0 [tilespmem:$0x10820]  }
0x17a: {  	v6 =	vld @!p0 [tilespmem:$0x8830]  }
0x17b: {  	v7 =	vld @!p0 [tilespmem:$0x10830]  }
0x17c: {  	v8 =	vld @!p0 [tilespmem:$0x8840]  }
0x17d: {  	v9 =	vld @!p0 [tilespmem:$0x10840]  }
0x17e: {  	v10 =	vld @!p0 [tilespmem:$0x8850]  }
0x17f: {  	v11 =	vld @!p0 [tilespmem:$0x10850]  }
0x180: {  	vm0 =	vlt.f32 @!p0 v0, $0.0e+00;
	v0 =	vld @!p0 [tilespmem:$0x8860]  }
0x181: {  	v1 =	vsel @!p0 vm0, $0x0, v1;
	vm0 =	vlt.f32 @!p0 v2, $0.0e+00;
	v2 =	vld @!p0 [tilespmem:$0x10860]  }
0x182: {  	[tilespmem:$0x10800] =	vst @!p0 v1;
	v1 =	vsel @!p0 vm0, $0x0, v3;
	vm0 =	vlt.f32 @!p0 v4, $0.0e+00;
	v3 =	vld @!p0 [tilespmem:$0x8870]  }
0x183: {  	v4 =	vld @!p0 [tilespmem:$0x10870];
	[tilespmem:$0x10810] =	vst @!p0 v1;
	v1 =	vsel @!p0 vm0, $0x0, v5;
	vm0 =	vlt.f32 @!p0 v6, $0.0e+00  }
0x184: {  	[tilespmem:$0x10820] =	vst @!p0 v1;
	v1 =	vsel @!p0 vm0, $0x0, v7;
	vm0 =	vlt.f32 @!p0 v8, $0.0e+00  }
.Ltmp6:
0x185: {  	[tilespmem:$0x10830] =	vst @!p0 v1;
	v1 =	vsel @!p0 vm0, $0x0, v9;
	vm0 =	vlt.f32 @!p0 v10, $0.0e+00;
	(pc) =	sbr.rel .LBB2_7-.Ltmp6, $4  }
0x186: {  	[tilespmem:$0x10840] =	vst @!p0 v1;
	v1 =	vsel @!p0 vm0, $0x0, v11;
	vm0 =	vlt.f32 @!p0 v0, $0.0e+00  }
0x187: {  	[tilespmem:$0x10850] =	vst @!p0 v1;
	v0 =	vsel @!p0 vm0, $0x0, v2;
	vm0 =	vlt.f32 @!p0 v3, $0.0e+00  }
0x188: {  	[tilespmem:$0x10860] =	vst @!p0 v0;
	v0 =	vsel @!p0 vm0, $0x0, v4  }
0x189: {  	[tilespmem:$0x10870] =	vst @!p0 v0  }
.LBB2_9:
0x18a: {  	_ =	sfence.sel $0x180000  }
0x18b: {  	[bflag:$0x0] =	sbarrier.arrive $0xFFFF  }
0x18c: {  	p0 =	sne.s32 s2, $0x0;
	_ =	strace $0x90000047  }
0x18d: {  	s0 =	sadd.s32 @!p0 $0x100000, s0;
	[bflag:$0x2] =	sbarrier.arrive $0xFFFF  }
0x18e: {  	[sflag:s0] =	ssyncadd.tile.s32 @!p0 $0x1;
	_ =	shalt  }
.Lfunc_end2:
_tile_overlayer_lowered:
.L_overlay_start_2:
0x18f: {  	(tag) =	ssettag $0x2  }
0x190: {  	s0 =	rddreg [dreg:$0x0];
	s2 =	stileid.u32  }
0x191: {  	s1 =	rddreg [dreg:$0x1];
	p0 =	sne.s32 s2, $0x0  }
0x192: {  	s3 =	rddreg [dreg:$0x2];
	[bflag:$0x3] =	sbarrier.arrive $0xFFFF;
	s2 =	simm.s32 @!p0 $0x1C01  }
0x193: {  	[timem:s3], [sflag:s2] =	dma.local @!p0 [hbm:s0], s1  }
0x194: {  	s0 =	simm.s32 @!p0 $0x1  }
0x195: {  	_ =	swait.ge @!p0 [sflag:s0], s1  }
0x196: {  	s1 =	ssub.s32 @!p0 $0x0, s1;
	[sflag:s0] =	ssyncset.done @!p0 $0x0  }
0x197: {  	[sflag:s0] =	ssyncadd.s32 @!p0 s1  }
0x198: {  	[bflag:$0x3] =	sbarrier.arrive $0xFFFF  }
0x199: {  	_ =	shalt  }

</sc_bundles>
